<compile_context>
chip_gen: v7x
topology: tpu7x:2x2x1
jax: 0.10.2.dev20260603
libtpu: 0.0.44.dev20260713+nightly
codegen_flags: <defaults>
</compile_context>

<pallas_src>
import jax
import jax.numpy as jnp
from jax import lax
from jax.experimental import pallas as pl
from jax.experimental.pallas import tpu as pltpu
from jax.experimental.pallas import tpu_sc as plsc

_N = 10000
_E = 320000
_D = 128
_NC = 2
_NS = 16
_NW = _NC * _NS
_N_PAD = 10240
_RPT = _N_PAD // _NS
_K = 128
_NROW = _E // _K
_NCH = _NROW // _NW
_NXW = _NROW - _NCH * _NW
_NBUF = 2
_NCHP = 40
_ZB = 64


def _deg_body(dstm, zeros1, ones1, pdeg, sdeg, idxd, exd, ones_v, *dsem):
    c = lax.axis_index("c")
    s = lax.axis_index("s")
    w = c * _NS + s
    pltpu.sync_copy(zeros1.at[pl.ds(s * _RPT, _RPT)], sdeg.at[pl.ds(s * _RPT, _RPT)])
    pltpu.sync_copy(ones1, ones_v)
    wbase = w * _NCH + jnp.minimum(w, _NXW)
    pltpu.sync_copy(dstm.at[pl.ds(wbase, _NCH)], idxd)

    @pl.when(w < _NXW)
    def _():
        pltpu.sync_copy(dstm.at[pl.ds(wbase + _NCH, 1)], exd)

    plsc.subcore_barrier()

    def sdesc(k, b):
        return pltpu.make_async_copy(ones_v, sdeg.at[idxd.at[k, 0]], dsem[b])

    def rnd(r, carry):
        for b in range(_NBUF):
            k = _NBUF * r + b

            @pl.when(k >= _NBUF)
            def _():
                sdesc(k - _NBUF, b).wait()

            sdesc(k, b).start(add=True)
        return carry

    lax.fori_loop(0, _NCH // _NBUF, rnd, 0)
    for b in range(_NBUF):
        sdesc(_NCH - _NBUF + b, b).wait()

    @pl.when(w < _NXW)
    def _():
        pltpu.sync_copy(ones_v, sdeg.at[exd.at[0, 0]], add=True)

    plsc.subcore_barrier()
    pltpu.sync_copy(sdeg.at[pl.ds(s * _RPT, _RPT)],
                    pdeg.at[pl.ds(c * _N_PAD + s * _RPT, _RPT)])


def _scat_body(g, srcm, dstm, zeros2, pout, acc, *sems):
    def scoped(idxs, idxd, exs, exd, rows):
        _scat_inner(g, srcm, dstm, zeros2, pout, acc, idxs, idxd, exs, exd,
                    rows, sems)

    pl.run_scoped(
        scoped,
        idxs=pltpu.VMEM((_NCHP, 1, _K), jnp.int32),
        idxd=pltpu.VMEM((_NCHP, 1, _K), jnp.int32),
        exs=pltpu.VMEM((1, 1, _K), jnp.int32),
        exd=pltpu.VMEM((1, 1, _K), jnp.int32),
        rows=[pltpu.VMEM((_K, _D), jnp.float32) for _ in range(_NBUF)],
    )


def _scat_inner(g, srcm, dstm, zeros2, pout, acc, idxs, idxd, exs, exd, rows, sems):
    gsem = sems[:_NBUF]
    ssem = sems[_NBUF:]
    c = lax.axis_index("c")
    s = lax.axis_index("s")
    w = c * _NS + s

    def zrow(j, carry):
        pltpu.sync_copy(zeros2, acc.at[pl.ds(s * _RPT + j * _ZB, _ZB)])
        return carry

    lax.fori_loop(0, _RPT // _ZB, zrow, 0)
    plsc.subcore_barrier()

    def gdesc(k, b):
        return pltpu.make_async_copy(g.at[idxs.at[k, 0]], rows[b], gsem[b])

    def sdesc(k, b):
        return pltpu.make_async_copy(rows[b], acc.at[idxd.at[k, 0]], ssem[b])

    wbase = w * _NCH + jnp.minimum(w, _NXW)

    @pl.when(w < _NXW)
    def _():
        pltpu.sync_copy(srcm.at[pl.ds(wbase + _NCH, 1)], exs)
        pltpu.sync_copy(dstm.at[pl.ds(wbase + _NCH, 1)], exd)

    for off, n in ((0, _NCHP), (_NCHP, _NCH - _NCHP)):
        pltpu.sync_copy(srcm.at[pl.ds(wbase + off, n)], idxs.at[pl.ds(0, n)])
        pltpu.sync_copy(dstm.at[pl.ds(wbase + off, n)], idxd.at[pl.ds(0, n)])
        gdesc(0, 0).start()
        gdesc(1, 1).start()

        def rnd(r, carry):
            for b in range(_NBUF):
                k = _NBUF * r + b
                bb = (b + 2) % _NBUF
                gdesc(k, b).wait()
                sdesc(k, b).start(add=True)

                @pl.when(k >= _NBUF - 2)
                def _():
                    sdesc(k + 2 - _NBUF, bb).wait()

                @pl.when(k + 2 < n)
                def _():
                    gdesc(k + 2, bb).start()
            return carry

        lax.fori_loop(0, n // _NBUF, rnd, 0)
        for j in range(n + 2 - _NBUF, n):
            sdesc(j, j % _NBUF).wait()

    @pl.when(w < _NXW)
    def _():
        pltpu.sync_copy(g.at[exs.at[0, 0]], rows[0])
        pltpu.sync_copy(rows[0], acc.at[exd.at[0, 0]], add=True)

    plsc.subcore_barrier()
    def wrow(j, carry):
        pltpu.sync_copy(acc.at[pl.ds(s * _RPT + j * _ZB, _ZB)],
                        pout.at[pl.ds(c * _N_PAD + s * _RPT + j * _ZB, _ZB)])
        return carry

    lax.fori_loop(0, _RPT // _ZB, wrow, 0)


def _mm_body(x_ref, w_ref, h_ref):
    h_ref[...] = jnp.dot(x_ref[...], w_ref[...],
                         preferred_element_type=jnp.float32)


def _scale_body(h_ref, pd_ref, g_ref):
    pd = pd_ref[...]
    dinv = lax.rsqrt(pd[0] + pd[1] + 1.0)
    g_ref[...] = h_ref[...] * dinv[:, None]


def _fin_body(pout_ref, g_ref, pd_ref, b_ref, gam_ref, bet_ref, o_ref):
    pc = pout_ref[...]
    ssum = pc[:_N] + pc[_N_PAD:_N_PAD + _N] + g_ref[...]
    pd = pd_ref[...]
    dinv = lax.rsqrt(pd[0, :_N] + pd[1, :_N] + 1.0)
    pre = ssum * dinv[:, None] + b_ref[...]
    mean = jnp.sum(pre, axis=0) / _N
    dev = pre - mean[None, :]
    var = jnp.sum(dev * dev, axis=0) / _N
    o = dev * lax.rsqrt(var + 1e-5) * gam_ref[...] + bet_ref[...]
    o_ref[...] = jnp.maximum(o, 0.0)


def kernel(x, edge_index, W, b, gamma, beta):
    f32 = jnp.float32
    srcm = edge_index[0].reshape(_NROW, 1, _K)
    dstm = edge_index[1].reshape(_NROW, 1, _K)
    zeros1 = jnp.zeros((_N_PAD,), f32)
    ones1 = jnp.ones((_K,), f32)
    zeros2 = jnp.zeros((_ZB, _D), f32)

    mesh = plsc.VectorSubcoreMesh(core_axis_name="c", subcore_axis_name="s",
                                  num_cores=_NC, num_subcores=_NS)
    dma = pltpu.SemaphoreType.DMA

    pdeg = pl.kernel(
        _deg_body,
        out_type=jax.ShapeDtypeStruct((2 * _N_PAD,), f32),
        mesh=mesh,
        scratch_types=[
            pltpu.VMEM_SHARED((_N_PAD,), f32),
            pltpu.VMEM((_NCH, 1, _K), jnp.int32),
            pltpu.VMEM((1, 1, _K), jnp.int32),
            pltpu.VMEM((_K,), f32),
        ] + [dma] * _NBUF,
    )(dstm, zeros1, ones1)
    pdeg2 = pdeg.reshape(2, _N_PAD)

    bn = 2048
    h = pl.pallas_call(
        _mm_body,
        grid=(_N_PAD // bn,),
        in_specs=[
            pl.BlockSpec((bn, _D), lambda i: (i, 0)),
            pl.BlockSpec((_D, _D), lambda i: (0, 0)),
        ],
        out_specs=pl.BlockSpec((bn, _D), lambda i: (i, 0)),
        out_shape=jax.ShapeDtypeStruct((_N, _D), f32),
    )(x, W)
    g = pl.pallas_call(
        _scale_body,
        grid=(_N_PAD // bn,),
        in_specs=[
            pl.BlockSpec((bn, _D), lambda i: (i, 0)),
            pl.BlockSpec((2, bn), lambda i: (0, i)),
        ],
        out_specs=pl.BlockSpec((bn, _D), lambda i: (i, 0)),
        out_shape=jax.ShapeDtypeStruct((_N, _D), f32),
    )(h, pdeg2)

    pout = pl.kernel(
        _scat_body,
        out_type=jax.ShapeDtypeStruct((2 * _N_PAD, _D), f32),
        mesh=mesh,
        scratch_types=[
            pltpu.VMEM_SHARED((_N_PAD, _D), f32),
        ] + [dma] * (2 * _NBUF),
    )(g, srcm, dstm, zeros2)

    out = pl.pallas_call(
        _fin_body,
        out_shape=jax.ShapeDtypeStruct((_N, _D), f32),
    )(pout, g, pdeg2,
      b.reshape(1, _D), gamma.reshape(1, _D), beta.reshape(1, _D))
    return out

# --- scband reference (transcript-rebuilt; emitter-appended) ---
"""Pipeline reference for scband-gcn-49074296324300 (READ-ONLY COPY).

The authoritative reference and input builder live on the scoring server;
editing this copy changes nothing except your own understanding.
"""

import jax, jax.numpy as jnp
import numpy as np

N = 10000
E = 320000
D_IN = 128
D_OUT = 128


def setup_inputs(seed: int = 0) -> dict:
    key = jax.random.key(seed)
    k1, k2, k3 = jax.random.split(key, 3)
    x = jax.random.normal(k1, (N, D_IN), dtype=jnp.float32)
    edge_index = jax.random.randint(k2, (2, E), 0, N, dtype=jnp.int32)
    # GCNConv linear weight (glorot-ish) and bias
    W = jax.random.normal(k3, (D_IN, D_OUT), dtype=jnp.float32) * 0.05
    b = jnp.zeros((D_OUT,), dtype=jnp.float32)
    # BatchNorm1d affine params
    gamma = jnp.ones((D_OUT,), dtype=jnp.float32)
    beta = jnp.zeros((D_OUT,), dtype=jnp.float32)
    return {"x": x, "edge_index": edge_index, "W": W, "b": b, "gamma": gamma, "beta": beta}


def reference(x, edge_index, W, b, gamma, beta):
    n = x.shape[0]
    # GCNConv: linear transform first
    h = x @ W
    # add self loops
    loop = jnp.arange(n, dtype=edge_index.dtype)
    src = jnp.concatenate([edge_index[0], loop])
    dst = jnp.concatenate([edge_index[1], loop])
    # symmetric normalization D^{-1/2} (A+I) D^{-1/2}
    ones = jnp.ones_like(src, dtype=h.dtype)
    deg = jax.ops.segment_sum(ones, dst, num_segments=n)
    deg_inv_sqrt = jnp.where(deg > 0, jax.lax.rsqrt(deg), 0.0)
    norm = deg_inv_sqrt[src] * deg_inv_sqrt[dst]
    # message passing: gather, scale, scatter-add
    msg = h[src] * norm[:, None]
    out = jnp.zeros((n, h.shape[1]), dtype=h.dtype).at[dst].add(msg)
    out = out + b
    # BatchNorm1d (training-mode batch statistics), eps=1e-5
    mean = jnp.mean(out, axis=0)
    var = jnp.var(out, axis=0)
    out = (out - mean) * jax.lax.rsqrt(var + 1e-5) * gamma + beta
    # ReLU
    return jax.nn.relu(out)

if __name__ == "__main__":
    import jax
    _d = setup_inputs()
    print(jax.jit(kernel)(*tuple(_d.values())))

</pallas_src>

<mosaic_0001>
#map = affine_map<(d0, d1) -> (0, 0, 0)>
#map1 = affine_map<(d0, d1) -> (0)>
module attributes {stable_mosaic.version = 14 : i64} {
  func.func @_deg_body(%arg0: i32, %arg1: i32, %arg2: memref<2500x1x128xi32, #tpu.memory_space<hbm>>, %arg3: memref<10240xf32, #tpu.memory_space<hbm>>, %arg4: memref<128xf32, #tpu.memory_space<hbm>>, %arg5: memref<20480xf32, #tpu.memory_space<hbm>>, %arg6: memref<10240xf32, #tpu.memory_space<vmem_shared>>, %arg7: memref<78x1x128xi32, #tpu.memory_space<vmem>>, %arg8: memref<1x1x128xi32, #tpu.memory_space<vmem>>, %arg9: memref<128xf32, #tpu.memory_space<vmem>>, %arg10: memref<!tpu.dma_semaphore, #tpu.memory_space<semaphore_mem>>, %arg11: memref<!tpu.dma_semaphore, #tpu.memory_space<semaphore_mem>>) attributes {dimension_semantics = [#tpu.dimension_semantics<core_parallel>, #tpu.dimension_semantics<subcore_parallel>], iteration_bounds = array<i64: 2, 16>, scalar_prefetch = 0 : i64, scratch_operands = 6 : i64, tpu.core_type = #tpu.core_type<sc_vector_subcore>, window_params = [{transform_indices = #map}, {transform_indices = #map1}, {transform_indices = #map1}, {transform_indices = #map1}]} {
    %mul3A = arith.constant 16 : i32
    %mul3A_0 = arith.muli %arg0, %mul3A : i32
    %add3A = arith.addi %mul3A_0, %arg1 : i32
    %mul3A_1 = arith.constant 640 : i32
    %mul3A_2 = arith.muli %arg1, %mul3A_1 : i32
    %mul3A_3 = arith.constant 640 : i32
    %mul3A_4 = arith.muli %arg1, %mul3A_3 : i32
    "tpu.region"() ({
      %run_scoped3A = tpu.sem_alloc : memref<!tpu.dma_semaphore, #tpu.memory_space<semaphore_mem>>
      %dma_start3A = tpu.memref_slice %arg6[%mul3A_4] : memref<10240xf32, #tpu.memory_space<vmem_shared>> -> memref<640xf32, #tpu.memory_space<vmem_shared>>
      %dma_start3A_42 = tpu.memref_slice %arg3[%mul3A_2] : memref<10240xf32, #tpu.memory_space<hbm>> -> memref<640xf32, #tpu.memory_space<hbm>>
      tpu.enqueue_dma source(%dma_start3A_42 : memref<640xf32, #tpu.memory_space<hbm>>) target(%dma_start3A : memref<640xf32, #tpu.memory_space<vmem_shared>>) target_semaphore(%run_scoped3A : memref<!tpu.dma_semaphore, #tpu.memory_space<semaphore_mem>>)
      %dma_wait3A_43 = tpu.memref_slice %arg6[%mul3A_4] : memref<10240xf32, #tpu.memory_space<vmem_shared>> -> memref<640xf32, #tpu.memory_space<vmem_shared>>
      %dma_wait3A_44 = tpu.memref_slice %arg3[%mul3A_2] : memref<10240xf32, #tpu.memory_space<hbm>> -> memref<640xf32, #tpu.memory_space<hbm>>
      tpu.wait_dma2 semaphore(%run_scoped3A : memref<!tpu.dma_semaphore, #tpu.memory_space<semaphore_mem>>) src(%dma_wait3A_44 : memref<640xf32, #tpu.memory_space<hbm>>) dst(%dma_wait3A_43 : memref<640xf32, #tpu.memory_space<vmem_shared>>)
      tpu.yield
    }) : () -> ()
    "tpu.region"() ({
      %run_scoped3A = tpu.sem_alloc : memref<!tpu.dma_semaphore, #tpu.memory_space<semaphore_mem>>
      tpu.enqueue_dma source(%arg4 : memref<128xf32, #tpu.memory_space<hbm>>) target(%arg9 : memref<128xf32, #tpu.memory_space<vmem>>) target_semaphore(%run_scoped3A : memref<!tpu.dma_semaphore, #tpu.memory_space<semaphore_mem>>)
      tpu.wait_dma2 semaphore(%run_scoped3A : memref<!tpu.dma_semaphore, #tpu.memory_space<semaphore_mem>>) src(%arg4 : memref<128xf32, #tpu.memory_space<hbm>>) dst(%arg9 : memref<128xf32, #tpu.memory_space<vmem>>)
      tpu.yield
    }) : () -> ()
    %mul3A_5 = arith.constant 78 : i32
    %mul3A_6 = arith.muli %add3A, %mul3A_5 : i32
    %min3A = arith.constant 4 : i32
    %min3A_7 = arith.minsi %add3A, %min3A : i32
    %add3A_8 = arith.addi %mul3A_6, %min3A_7 : i32
    "tpu.region"() ({
      %run_scoped3A = tpu.sem_alloc : memref<!tpu.dma_semaphore, #tpu.memory_space<semaphore_mem>>
      %dma_start3A = arith.constant 0 : i32
      %dma_start3A_42 = arith.constant 0 : i32
      %dma_start3A_43 = tpu.memref_slice %arg2[%add3A_8, %dma_start3A, %dma_start3A_42] : memref<2500x1x128xi32, #tpu.memory_space<hbm>> -> memref<78x1x128xi32, #tpu.memory_space<hbm>>
      %dma_start3A_44 = arith.constant 0 : i32
      %dma_start3A_45 = arith.constant 0 : i32
      %dma_start3A_46 = tpu.memref_slice %arg2[%add3A_8, %dma_start3A_44, %dma_start3A_45] : memref<2500x1x128xi32, #tpu.memory_space<hbm>> -> memref<78x1x128xi32, #tpu.memory_space<hbm>>
      tpu.enqueue_dma source(%dma_start3A_46 : memref<78x1x128xi32, #tpu.memory_space<hbm>>) target(%arg7 : memref<78x1x128xi32, #tpu.memory_space<vmem>>) target_semaphore(%run_scoped3A : memref<!tpu.dma_semaphore, #tpu.memory_space<semaphore_mem>>)
      %dma_wait3A_47 = arith.constant 0 : i32
      %dma_wait3A_48 = arith.constant 0 : i32
      %dma_wait3A_49 = tpu.memref_slice %arg2[%add3A_8, %dma_wait3A_47, %dma_wait3A_48] : memref<2500x1x128xi32, #tpu.memory_space<hbm>> -> memref<78x1x128xi32, #tpu.memory_space<hbm>>
      %dma_wait3A_50 = arith.constant 0 : i32
      %dma_wait3A_51 = arith.constant 0 : i32
      %dma_wait3A_52 = tpu.memref_slice %arg2[%add3A_8, %dma_wait3A_50, %dma_wait3A_51] : memref<2500x1x128xi32, #tpu.memory_space<hbm>> -> memref<78x1x128xi32, #tpu.memory_space<hbm>>
      tpu.wait_dma2 semaphore(%run_scoped3A : memref<!tpu.dma_semaphore, #tpu.memory_space<semaphore_mem>>) src(%dma_wait3A_52 : memref<78x1x128xi32, #tpu.memory_space<hbm>>) dst(%arg7 : memref<78x1x128xi32, #tpu.memory_space<vmem>>)
      tpu.yield
    }) : () -> ()
    %lt3A = arith.constant 4 : i32
    %lt3A_9 = arith.cmpi slt, %add3A, %lt3A : i32
    %convert_element_type3A = arith.extui %lt3A_9 : i1 to i32
    %cond3A = arith.constant 0 : i32
    %cond3A_10 = arith.cmpi ne, %convert_element_type3A, %cond3A : i32
    scf.if %cond3A_10 {
      %add3A_42 = arith.constant 78 : i32
      %add3A_43 = arith.addi %add3A_8, %add3A_42 : i32
      "tpu.region"() ({
        %run_scoped3A = tpu.sem_alloc : memref<!tpu.dma_semaphore, #tpu.memory_space<semaphore_mem>>
        %dma_start3A = arith.constant 0 : i32
        %dma_start3A_44 = arith.constant 0 : i32
        %dma_start3A_45 = tpu.memref_slice %arg2[%add3A_43, %dma_start3A, %dma_start3A_44] : memref<2500x1x128xi32, #tpu.memory_space<hbm>> -> memref<1x1x128xi32, #tpu.memory_space<hbm>>
        %dma_start3A_46 = arith.constant 0 : i32
        %dma_start3A_47 = arith.constant 0 : i32
        %dma_start3A_48 = tpu.memref_slice %arg2[%add3A_43, %dma_start3A_46, %dma_start3A_47] : memref<2500x1x128xi32, #tpu.memory_space<hbm>> -> memref<1x1x128xi32, #tpu.memory_space<hbm>>
        tpu.enqueue_dma source(%dma_start3A_48 : memref<1x1x128xi32, #tpu.memory_space<hbm>>) target(%arg8 : memref<1x1x128xi32, #tpu.memory_space<vmem>>) target_semaphore(%run_scoped3A : memref<!tpu.dma_semaphore, #tpu.memory_space<semaphore_mem>>)
        %dma_wait3A_49 = arith.constant 0 : i32
        %dma_wait3A_50 = arith.constant 0 : i32
        %dma_wait3A_51 = tpu.memref_slice %arg2[%add3A_43, %dma_wait3A_49, %dma_wait3A_50] : memref<2500x1x128xi32, #tpu.memory_space<hbm>> -> memref<1x1x128xi32, #tpu.memory_space<hbm>>
        %dma_wait3A_52 = arith.constant 0 : i32
        %dma_wait3A_53 = arith.constant 0 : i32
        %dma_wait3A_54 = tpu.memref_slice %arg2[%add3A_43, %dma_wait3A_52, %dma_wait3A_53] : memref<2500x1x128xi32, #tpu.memory_space<hbm>> -> memref<1x1x128xi32, #tpu.memory_space<hbm>>
        tpu.wait_dma2 semaphore(%run_scoped3A : memref<!tpu.dma_semaphore, #tpu.memory_space<semaphore_mem>>) src(%dma_wait3A_54 : memref<1x1x128xi32, #tpu.memory_space<hbm>>) dst(%arg8 : memref<1x1x128xi32, #tpu.memory_space<vmem>>)
        tpu.yield
      }) : () -> ()
    } else {
    }
    %barrier3A = arith.constant 0 : index
    tpu.barrier barrier_id(%barrier3A)
    %scan3A = arith.constant 0 : i32
    %scan3A_11 = arith.constant 0 : i32
    %scan3A_12 = arith.constant 39 : i32
    %scan3A_13 = arith.addi %scan3A_11, %scan3A_12 : i32
    %scan3A_14 = arith.constant 1 : i32
    scf.for %scan3A_42 = %scan3A_11 to %scan3A_13 step %scan3A_14  : i32 {
      %mul3A_43 = arith.constant 2 : i32
      %mul3A_44 = arith.muli %mul3A_43, %scan3A_42 : i32
      %add3A_45 = arith.constant 0 : i32
      %add3A_46 = arith.addi %mul3A_44, %add3A_45 : i32
      %ge3A = arith.constant 2 : i32
      %ge3A_47 = arith.cmpi sge, %add3A_46, %ge3A : i32
      %convert_element_type3A_48 = arith.extui %ge3A_47 : i1 to i32
      %cond3A_49 = arith.constant 0 : i32
      %cond3A_50 = arith.cmpi ne, %convert_element_type3A_48, %cond3A_49 : i32
      scf.if %cond3A_50 {
        %sub3A = arith.constant 2 : i32
        %sub3A_71 = arith.subi %add3A_46, %sub3A : i32
        %dma_wait3A_72 = arith.constant 0 : i32
        %dma_wait3A_73 = arith.constant 0 : i32
        %dma_wait3A_74 = tpu.memref_slice %arg7[%sub3A_71, %dma_wait3A_72, %dma_wait3A_73] : memref<78x1x128xi32, #tpu.memory_space<vmem>> -> memref<1x1x128xi32, #tpu.memory_space<vmem>>
        %dma_wait3A_75 = tpu.memref_squeeze %dma_wait3A_74 : memref<1x1x128xi32, #tpu.memory_space<vmem>> -> memref<128xi32, #tpu.memory_space<vmem>>
        %dma_wait3A_76 = arith.constant 0 : i32
        %dma_wait3A_77 = tpu.memref_slice %arg6[%dma_wait3A_76] : memref<10240xf32, #tpu.memory_space<vmem_shared>> -> memref<10240xf32, #tpu.memory_space<vmem_shared>>
        tpu.wait_indirect_dma semaphore(%arg10 : memref<!tpu.dma_semaphore, #tpu.memory_space<semaphore_mem>>) src(%arg9 : memref<128xf32, #tpu.memory_space<vmem>>) dst(%dma_wait3A_77 : memref<10240xf32, #tpu.memory_space<vmem_shared>>)
      } else {
      }
      %dma_start3A = arith.constant 0 : i32
      %dma_start3A_51 = arith.constant 0 : i32
      %dma_start3A_52 = tpu.memref_slice %arg7[%add3A_46, %dma_start3A, %dma_start3A_51] : memref<78x1x128xi32, #tpu.memory_space<vmem>> -> memref<1x1x128xi32, #tpu.memory_space<vmem>>
      %dma_start3A_53 = tpu.memref_squeeze %dma_start3A_52 : memref<1x1x128xi32, #tpu.memory_space<vmem>> -> memref<128xi32, #tpu.memory_space<vmem>>
      %dma_start3A_54 = arith.constant 0 : i32
      %dma_start3A_55 = tpu.memref_slice %arg6[%dma_start3A_54] : memref<10240xf32, #tpu.memory_space<vmem_shared>> -> memref<10240xf32, #tpu.memory_space<vmem_shared>>
      tpu.enqueue_indirect_dma source(%arg9 : memref<128xf32, #tpu.memory_space<vmem>>) target(%dma_start3A_55 : memref<10240xf32, #tpu.memory_space<vmem_shared>>) offsets(%dma_start3A_53 : memref<128xi32, #tpu.memory_space<vmem>>) semaphore(%arg10 : memref<!tpu.dma_semaphore, #tpu.memory_space<semaphore_mem>>) {add = true}
      %mul3A_56 = arith.constant 2 : i32
      %mul3A_57 = arith.muli %mul3A_56, %scan3A_42 : i32
      %add3A_58 = arith.constant 1 : i32
      %add3A_59 = arith.addi %mul3A_57, %add3A_58 : i32
      %ge3A_60 = arith.constant 2 : i32
      %ge3A_61 = arith.cmpi sge, %add3A_59, %ge3A_60 : i32
      %convert_element_type3A_62 = arith.extui %ge3A_61 : i1 to i32
      %cond3A_63 = arith.constant 0 : i32
      %cond3A_64 = arith.cmpi ne, %convert_element_type3A_62, %cond3A_63 : i32
      scf.if %cond3A_64 {
        %sub3A = arith.constant 2 : i32
        %sub3A_71 = arith.subi %add3A_59, %sub3A : i32
        %dma_wait3A_72 = arith.constant 0 : i32
        %dma_wait3A_73 = arith.constant 0 : i32
        %dma_wait3A_74 = tpu.memref_slice %arg7[%sub3A_71, %dma_wait3A_72, %dma_wait3A_73] : memref<78x1x128xi32, #tpu.memory_space<vmem>> -> memref<1x1x128xi32, #tpu.memory_space<vmem>>
        %dma_wait3A_75 = tpu.memref_squeeze %dma_wait3A_74 : memref<1x1x128xi32, #tpu.memory_space<vmem>> -> memref<128xi32, #tpu.memory_space<vmem>>
        %dma_wait3A_76 = arith.constant 0 : i32
        %dma_wait3A_77 = tpu.memref_slice %arg6[%dma_wait3A_76] : memref<10240xf32, #tpu.memory_space<vmem_shared>> -> memref<10240xf32, #tpu.memory_space<vmem_shared>>
        tpu.wait_indirect_dma semaphore(%arg11 : memref<!tpu.dma_semaphore, #tpu.memory_space<semaphore_mem>>) src(%arg9 : memref<128xf32, #tpu.memory_space<vmem>>) dst(%dma_wait3A_77 : memref<10240xf32, #tpu.memory_space<vmem_shared>>)
      } else {
      }
      %dma_start3A_65 = arith.constant 0 : i32
      %dma_start3A_66 = arith.constant 0 : i32
      %dma_start3A_67 = tpu.memref_slice %arg7[%add3A_59, %dma_start3A_65, %dma_start3A_66] : memref<78x1x128xi32, #tpu.memory_space<vmem>> -> memref<1x1x128xi32, #tpu.memory_space<vmem>>
      %dma_start3A_68 = tpu.memref_squeeze %dma_start3A_67 : memref<1x1x128xi32, #tpu.memory_space<vmem>> -> memref<128xi32, #tpu.memory_space<vmem>>
      %dma_start3A_69 = arith.constant 0 : i32
      %dma_start3A_70 = tpu.memref_slice %arg6[%dma_start3A_69] : memref<10240xf32, #tpu.memory_space<vmem_shared>> -> memref<10240xf32, #tpu.memory_space<vmem_shared>>
      tpu.enqueue_indirect_dma source(%arg9 : memref<128xf32, #tpu.memory_space<vmem>>) target(%dma_start3A_70 : memref<10240xf32, #tpu.memory_space<vmem_shared>>) offsets(%dma_start3A_68 : memref<128xi32, #tpu.memory_space<vmem>>) semaphore(%arg11 : memref<!tpu.dma_semaphore, #tpu.memory_space<semaphore_mem>>) {add = true}
    }
    %scan3A_15 = arith.constant 39 : i32
    %dma_wait3A = arith.constant 76 : i32
    %dma_wait3A_16 = arith.constant 0 : i32
    %dma_wait3A_17 = arith.constant 0 : i32
    %dma_wait3A_18 = tpu.memref_slice %arg7[%dma_wait3A, %dma_wait3A_16, %dma_wait3A_17] : memref<78x1x128xi32, #tpu.memory_space<vmem>> -> memref<1x1x128xi32, #tpu.memory_space<vmem>>
    %dma_wait3A_19 = tpu.memref_squeeze %dma_wait3A_18 : memref<1x1x128xi32, #tpu.memory_space<vmem>> -> memref<128xi32, #tpu.memory_space<vmem>>
    %dma_wait3A_20 = arith.constant 0 : i32
    %dma_wait3A_21 = tpu.memref_slice %arg6[%dma_wait3A_20] : memref<10240xf32, #tpu.memory_space<vmem_shared>> -> memref<10240xf32, #tpu.memory_space<vmem_shared>>
    tpu.wait_indirect_dma semaphore(%arg10 : memref<!tpu.dma_semaphore, #tpu.memory_space<semaphore_mem>>) src(%arg9 : memref<128xf32, #tpu.memory_space<vmem>>) dst(%dma_wait3A_21 : memref<10240xf32, #tpu.memory_space<vmem_shared>>)
    %dma_wait3A_22 = arith.constant 77 : i32
    %dma_wait3A_23 = arith.constant 0 : i32
    %dma_wait3A_24 = arith.constant 0 : i32
    %dma_wait3A_25 = tpu.memref_slice %arg7[%dma_wait3A_22, %dma_wait3A_23, %dma_wait3A_24] : memref<78x1x128xi32, #tpu.memory_space<vmem>> -> memref<1x1x128xi32, #tpu.memory_space<vmem>>
    %dma_wait3A_26 = tpu.memref_squeeze %dma_wait3A_25 : memref<1x1x128xi32, #tpu.memory_space<vmem>> -> memref<128xi32, #tpu.memory_space<vmem>>
    %dma_wait3A_27 = arith.constant 0 : i32
    %dma_wait3A_28 = tpu.memref_slice %arg6[%dma_wait3A_27] : memref<10240xf32, #tpu.memory_space<vmem_shared>> -> memref<10240xf32, #tpu.memory_space<vmem_shared>>
    tpu.wait_indirect_dma semaphore(%arg11 : memref<!tpu.dma_semaphore, #tpu.memory_space<semaphore_mem>>) src(%arg9 : memref<128xf32, #tpu.memory_space<vmem>>) dst(%dma_wait3A_28 : memref<10240xf32, #tpu.memory_space<vmem_shared>>)
    %lt3A_29 = arith.constant 4 : i32
    %lt3A_30 = arith.cmpi slt, %add3A, %lt3A_29 : i32
    %convert_element_type3A_31 = arith.extui %lt3A_30 : i1 to i32
    %cond3A_32 = arith.constant 0 : i32
    %cond3A_33 = arith.cmpi ne, %convert_element_type3A_31, %cond3A_32 : i32
    scf.if %cond3A_33 {
      %run_scoped3A = arith.constant 0 : i32
      %run_scoped3A_42 = arith.constant 0 : i32
      "tpu.region"() ({
        %run_scoped3A_43 = tpu.sem_alloc : memref<!tpu.dma_semaphore, #tpu.memory_space<semaphore_mem>>
        %dma_start3A = arith.constant 0 : i32
        %dma_start3A_44 = tpu.memref_slice %arg8[%run_scoped3A, %run_scoped3A_42, %dma_start3A] : memref<1x1x128xi32, #tpu.memory_space<vmem>> -> memref<1x1x128xi32, #tpu.memory_space<vmem>>
        %dma_start3A_45 = tpu.memref_squeeze %dma_start3A_44 : memref<1x1x128xi32, #tpu.memory_space<vmem>> -> memref<128xi32, #tpu.memory_space<vmem>>
        %dma_start3A_46 = arith.constant 0 : i32
        %dma_start3A_47 = tpu.memref_slice %arg6[%dma_start3A_46] : memref<10240xf32, #tpu.memory_space<vmem_shared>> -> memref<10240xf32, #tpu.memory_space<vmem_shared>>
        tpu.enqueue_indirect_dma source(%arg9 : memref<128xf32, #tpu.memory_space<vmem>>) target(%dma_start3A_47 : memref<10240xf32, #tpu.memory_space<vmem_shared>>) offsets(%dma_start3A_45 : memref<128xi32, #tpu.memory_space<vmem>>) semaphore(%run_scoped3A_43 : memref<!tpu.dma_semaphore, #tpu.memory_space<semaphore_mem>>) {add = true}
        %dma_wait3A_48 = arith.constant 0 : i32
        %dma_wait3A_49 = tpu.memref_slice %arg8[%run_scoped3A, %run_scoped3A_42, %dma_wait3A_48] : memref<1x1x128xi32, #tpu.memory_space<vmem>> -> memref<1x1x128xi32, #tpu.memory_space<vmem>>
        %dma_wait3A_50 = tpu.memref_squeeze %dma_wait3A_49 : memref<1x1x128xi32, #tpu.memory_space<vmem>> -> memref<128xi32, #tpu.memory_space<vmem>>
        %dma_wait3A_51 = arith.constant 0 : i32
        %dma_wait3A_52 = tpu.memref_slice %arg6[%dma_wait3A_51] : memref<10240xf32, #tpu.memory_space<vmem_shared>> -> memref<10240xf32, #tpu.memory_space<vmem_shared>>
        tpu.wait_indirect_dma semaphore(%run_scoped3A_43 : memref<!tpu.dma_semaphore, #tpu.memory_space<semaphore_mem>>) src(%arg9 : memref<128xf32, #tpu.memory_space<vmem>>) dst(%dma_wait3A_52 : memref<10240xf32, #tpu.memory_space<vmem_shared>>)
        tpu.yield
      }) : () -> ()
    } else {
    }
    %barrier3A_34 = arith.constant 0 : index
    tpu.barrier barrier_id(%barrier3A_34)
    %mul3A_35 = arith.constant 640 : i32
    %mul3A_36 = arith.muli %arg1, %mul3A_35 : i32
    %mul3A_37 = arith.constant 10240 : i32
    %mul3A_38 = arith.muli %arg0, %mul3A_37 : i32
    %mul3A_39 = arith.constant 640 : i32
    %mul3A_40 = arith.muli %arg1, %mul3A_39 : i32
    %add3A_41 = arith.addi %mul3A_38, %mul3A_40 : i32
    "tpu.region"() ({
      %run_scoped3A = tpu.sem_alloc : memref<!tpu.dma_semaphore, #tpu.memory_space<semaphore_mem>>
      %dma_start3A = tpu.memref_slice %arg5[%add3A_41] : memref<20480xf32, #tpu.memory_space<hbm>> -> memref<640xf32, #tpu.memory_space<hbm>>
      %dma_start3A_42 = tpu.memref_slice %arg6[%mul3A_36] : memref<10240xf32, #tpu.memory_space<vmem_shared>> -> memref<640xf32, #tpu.memory_space<vmem_shared>>
      tpu.enqueue_dma source(%dma_start3A_42 : memref<640xf32, #tpu.memory_space<vmem_shared>>) target(%dma_start3A : memref<640xf32, #tpu.memory_space<hbm>>) target_semaphore(%run_scoped3A : memref<!tpu.dma_semaphore, #tpu.memory_space<semaphore_mem>>)
      %dma_wait3A_43 = tpu.memref_slice %arg5[%add3A_41] : memref<20480xf32, #tpu.memory_space<hbm>> -> memref<640xf32, #tpu.memory_space<hbm>>
      %dma_wait3A_44 = tpu.memref_slice %arg6[%mul3A_36] : memref<10240xf32, #tpu.memory_space<vmem_shared>> -> memref<640xf32, #tpu.memory_space<vmem_shared>>
      tpu.wait_dma2 semaphore(%run_scoped3A : memref<!tpu.dma_semaphore, #tpu.memory_space<semaphore_mem>>) src(%dma_wait3A_44 : memref<640xf32, #tpu.memory_space<vmem_shared>>) dst(%dma_wait3A_43 : memref<640xf32, #tpu.memory_space<hbm>>)
      tpu.yield
    }) : () -> ()
    return
  }
}

#map = affine_map<(d0, d1) -> (0, 0)>
#map1 = affine_map<(d0, d1) -> (0, 0, 0)>
module attributes {stable_mosaic.version = 14 : i64} {
  func.func @_scat_body(%arg0: i32, %arg1: i32, %arg2: memref<10000x128xf32, #tpu.memory_space<hbm>>, %arg3: memref<2500x1x128xi32, #tpu.memory_space<hbm>>, %arg4: memref<2500x1x128xi32, #tpu.memory_space<hbm>>, %arg5: memref<64x128xf32, #tpu.memory_space<hbm>>, %arg6: memref<20480x128xf32, #tpu.memory_space<hbm>>, %arg7: memref<10240x128xf32, #tpu.memory_space<vmem_shared>>, %arg8: memref<!tpu.dma_semaphore, #tpu.memory_space<semaphore_mem>>, %arg9: memref<!tpu.dma_semaphore, #tpu.memory_space<semaphore_mem>>, %arg10: memref<!tpu.dma_semaphore, #tpu.memory_space<semaphore_mem>>, %arg11: memref<!tpu.dma_semaphore, #tpu.memory_space<semaphore_mem>>) attributes {dimension_semantics = [#tpu.dimension_semantics<core_parallel>, #tpu.dimension_semantics<subcore_parallel>], iteration_bounds = array<i64: 2, 16>, scalar_prefetch = 0 : i64, scratch_operands = 5 : i64, tpu.core_type = #tpu.core_type<sc_vector_subcore>, window_params = [{transform_indices = #map}, {transform_indices = #map1}, {transform_indices = #map1}, {transform_indices = #map}, {transform_indices = #map}]} {
    "tpu.region"() ({
      %run_scoped3A = memref.alloca() : memref<1x1x128xi32, #tpu.memory_space<vmem>>
      %run_scoped3A_0 = memref.alloca() : memref<1x1x128xi32, #tpu.memory_space<vmem>>
      %run_scoped3A_1 = memref.alloca() : memref<40x1x128xi32, #tpu.memory_space<vmem>>
      %run_scoped3A_2 = memref.alloca() : memref<40x1x128xi32, #tpu.memory_space<vmem>>
      %run_scoped3A_3 = memref.alloca() : memref<128x128xf32, #tpu.memory_space<vmem>>
      %run_scoped3A_4 = memref.alloca() : memref<128x128xf32, #tpu.memory_space<vmem>>
      %mul3A = arith.constant 16 : i32
      %mul3A_5 = arith.muli %arg0, %mul3A : i32
      %add3A = arith.addi %mul3A_5, %arg1 : i32
      %scan3A = arith.constant 0 : i32
      %scan3A_6 = arith.constant 0 : i32
      %scan3A_7 = arith.constant 10 : i32
      %scan3A_8 = arith.addi %scan3A_6, %scan3A_7 : i32
      %scan3A_9 = arith.constant 1 : i32
      scf.for %scan3A_80 = %scan3A_6 to %scan3A_8 step %scan3A_9  : i32 {
        %mul3A_81 = arith.constant 640 : i32
        %mul3A_82 = arith.muli %arg1, %mul3A_81 : i32
        %mul3A_83 = arith.constant 64 : i32
        %mul3A_84 = arith.muli %scan3A_80, %mul3A_83 : i32
        %add3A_85 = arith.addi %mul3A_82, %mul3A_84 : i32
        "tpu.region"() ({
          %run_scoped3A_86 = tpu.sem_alloc : memref<!tpu.dma_semaphore, #tpu.memory_space<semaphore_mem>>
          %dma_start3A_87 = arith.constant 0 : i32
          %dma_start3A_88 = tpu.memref_slice %arg7[%add3A_85, %dma_start3A_87] : memref<10240x128xf32, #tpu.memory_space<vmem_shared>> -> memref<64x128xf32, #tpu.memory_space<vmem_shared>>
          tpu.enqueue_dma source(%arg5 : memref<64x128xf32, #tpu.memory_space<hbm>>) target(%dma_start3A_88 : memref<64x128xf32, #tpu.memory_space<vmem_shared>>) target_semaphore(%run_scoped3A_86 : memref<!tpu.dma_semaphore, #tpu.memory_space<semaphore_mem>>)
          %dma_wait3A = arith.constant 0 : i32
          %dma_wait3A_89 = tpu.memref_slice %arg7[%add3A_85, %dma_wait3A] : memref<10240x128xf32, #tpu.memory_space<vmem_shared>> -> memref<64x128xf32, #tpu.memory_space<vmem_shared>>
          tpu.wait_dma2 semaphore(%run_scoped3A_86 : memref<!tpu.dma_semaphore, #tpu.memory_space<semaphore_mem>>) src(%arg5 : memref<64x128xf32, #tpu.memory_space<hbm>>) dst(%dma_wait3A_89 : memref<64x128xf32, #tpu.memory_space<vmem_shared>>)
          tpu.yield
        }) : () -> ()
      }
      %scan3A_10 = arith.constant 10 : i32
      %barrier3A = arith.constant 0 : index
      tpu.barrier barrier_id(%barrier3A)
      %mul3A_11 = arith.constant 78 : i32
      %mul3A_12 = arith.muli %add3A, %mul3A_11 : i32
      %min3A = arith.constant 4 : i32
      %min3A_13 = arith.minsi %add3A, %min3A : i32
      %add3A_14 = arith.addi %mul3A_12, %min3A_13 : i32
      %lt3A = arith.constant 4 : i32
      %lt3A_15 = arith.cmpi slt, %add3A, %lt3A : i32
      %convert_element_type3A = arith.extui %lt3A_15 : i1 to i32
      %cond3A = arith.constant 0 : i32
      %cond3A_16 = arith.cmpi ne, %convert_element_type3A, %cond3A : i32
      scf.if %cond3A_16 {
        %add3A_80 = arith.constant 78 : i32
        %add3A_81 = arith.addi %add3A_14, %add3A_80 : i32
        "tpu.region"() ({
          %run_scoped3A_84 = tpu.sem_alloc : memref<!tpu.dma_semaphore, #tpu.memory_space<semaphore_mem>>
          %dma_start3A_85 = arith.constant 0 : i32
          %dma_start3A_86 = arith.constant 0 : i32
          %dma_start3A_87 = tpu.memref_slice %arg3[%add3A_81, %dma_start3A_85, %dma_start3A_86] : memref<2500x1x128xi32, #tpu.memory_space<hbm>> -> memref<1x1x128xi32, #tpu.memory_space<hbm>>
          %dma_start3A_88 = arith.constant 0 : i32
          %dma_start3A_89 = arith.constant 0 : i32
          %dma_start3A_90 = tpu.memref_slice %arg3[%add3A_81, %dma_start3A_88, %dma_start3A_89] : memref<2500x1x128xi32, #tpu.memory_space<hbm>> -> memref<1x1x128xi32, #tpu.memory_space<hbm>>
          tpu.enqueue_dma source(%dma_start3A_90 : memref<1x1x128xi32, #tpu.memory_space<hbm>>) target(%run_scoped3A_0 : memref<1x1x128xi32, #tpu.memory_space<vmem>>) target_semaphore(%run_scoped3A_84 : memref<!tpu.dma_semaphore, #tpu.memory_space<semaphore_mem>>)
          %dma_wait3A = arith.constant 0 : i32
          %dma_wait3A_91 = arith.constant 0 : i32
          %dma_wait3A_92 = tpu.memref_slice %arg3[%add3A_81, %dma_wait3A, %dma_wait3A_91] : memref<2500x1x128xi32, #tpu.memory_space<hbm>> -> memref<1x1x128xi32, #tpu.memory_space<hbm>>
          %dma_wait3A_93 = arith.constant 0 : i32
          %dma_wait3A_94 = arith.constant 0 : i32
          %dma_wait3A_95 = tpu.memref_slice %arg3[%add3A_81, %dma_wait3A_93, %dma_wait3A_94] : memref<2500x1x128xi32, #tpu.memory_space<hbm>> -> memref<1x1x128xi32, #tpu.memory_space<hbm>>
          tpu.wait_dma2 semaphore(%run_scoped3A_84 : memref<!tpu.dma_semaphore, #tpu.memory_space<semaphore_mem>>) src(%dma_wait3A_95 : memref<1x1x128xi32, #tpu.memory_space<hbm>>) dst(%run_scoped3A_0 : memref<1x1x128xi32, #tpu.memory_space<vmem>>)
          tpu.yield
        }) : () -> ()
        %add3A_82 = arith.constant 78 : i32
        %add3A_83 = arith.addi %add3A_14, %add3A_82 : i32
        "tpu.region"() ({
          %run_scoped3A_84 = tpu.sem_alloc : memref<!tpu.dma_semaphore, #tpu.memory_space<semaphore_mem>>
          %dma_start3A_85 = arith.constant 0 : i32
          %dma_start3A_86 = arith.constant 0 : i32
          %dma_start3A_87 = tpu.memref_slice %arg4[%add3A_83, %dma_start3A_85, %dma_start3A_86] : memref<2500x1x128xi32, #tpu.memory_space<hbm>> -> memref<1x1x128xi32, #tpu.memory_space<hbm>>
          %dma_start3A_88 = arith.constant 0 : i32
          %dma_start3A_89 = arith.constant 0 : i32
          %dma_start3A_90 = tpu.memref_slice %arg4[%add3A_83, %dma_start3A_88, %dma_start3A_89] : memref<2500x1x128xi32, #tpu.memory_space<hbm>> -> memref<1x1x128xi32, #tpu.memory_space<hbm>>
          tpu.enqueue_dma source(%dma_start3A_90 : memref<1x1x128xi32, #tpu.memory_space<hbm>>) target(%run_scoped3A : memref<1x1x128xi32, #tpu.memory_space<vmem>>) target_semaphore(%run_scoped3A_84 : memref<!tpu.dma_semaphore, #tpu.memory_space<semaphore_mem>>)
          %dma_wait3A = arith.constant 0 : i32
          %dma_wait3A_91 = arith.constant 0 : i32
          %dma_wait3A_92 = tpu.memref_slice %arg4[%add3A_83, %dma_wait3A, %dma_wait3A_91] : memref<2500x1x128xi32, #tpu.memory_space<hbm>> -> memref<1x1x128xi32, #tpu.memory_space<hbm>>
          %dma_wait3A_93 = arith.constant 0 : i32
          %dma_wait3A_94 = arith.constant 0 : i32
          %dma_wait3A_95 = tpu.memref_slice %arg4[%add3A_83, %dma_wait3A_93, %dma_wait3A_94] : memref<2500x1x128xi32, #tpu.memory_space<hbm>> -> memref<1x1x128xi32, #tpu.memory_space<hbm>>
          tpu.wait_dma2 semaphore(%run_scoped3A_84 : memref<!tpu.dma_semaphore, #tpu.memory_space<semaphore_mem>>) src(%dma_wait3A_95 : memref<1x1x128xi32, #tpu.memory_space<hbm>>) dst(%run_scoped3A : memref<1x1x128xi32, #tpu.memory_space<vmem>>)
          tpu.yield
        }) : () -> ()
      } else {
      }
      %add3A_17 = arith.constant 0 : i32
      %add3A_18 = arith.addi %add3A_14, %add3A_17 : i32
      "tpu.region"() ({
        %run_scoped3A_80 = tpu.sem_alloc : memref<!tpu.dma_semaphore, #tpu.memory_space<semaphore_mem>>
        %dma_start3A_81 = arith.constant 0 : i32
        %dma_start3A_82 = arith.constant 0 : i32
        %dma_start3A_83 = arith.constant 0 : i32
        %dma_start3A_84 = tpu.memref_slice %run_scoped3A_2[%dma_start3A_81, %dma_start3A_82, %dma_start3A_83] : memref<40x1x128xi32, #tpu.memory_space<vmem>> -> memref<40x1x128xi32, #tpu.memory_space<vmem>>
        %dma_start3A_85 = arith.constant 0 : i32
        %dma_start3A_86 = arith.constant 0 : i32
        %dma_start3A_87 = tpu.memref_slice %arg3[%add3A_18, %dma_start3A_85, %dma_start3A_86] : memref<2500x1x128xi32, #tpu.memory_space<hbm>> -> memref<40x1x128xi32, #tpu.memory_space<hbm>>
        %dma_start3A_88 = arith.constant 0 : i32
        %dma_start3A_89 = arith.constant 0 : i32
        %dma_start3A_90 = arith.constant 0 : i32
        %dma_start3A_91 = tpu.memref_slice %run_scoped3A_2[%dma_start3A_88, %dma_start3A_89, %dma_start3A_90] : memref<40x1x128xi32, #tpu.memory_space<vmem>> -> memref<40x1x128xi32, #tpu.memory_space<vmem>>
        %dma_start3A_92 = arith.constant 0 : i32
        %dma_start3A_93 = arith.constant 0 : i32
        %dma_start3A_94 = tpu.memref_slice %arg3[%add3A_18, %dma_start3A_92, %dma_start3A_93] : memref<2500x1x128xi32, #tpu.memory_space<hbm>> -> memref<40x1x128xi32, #tpu.memory_space<hbm>>
        tpu.enqueue_dma source(%dma_start3A_94 : memref<40x1x128xi32, #tpu.memory_space<hbm>>) target(%dma_start3A_91 : memref<40x1x128xi32, #tpu.memory_space<vmem>>) target_semaphore(%run_scoped3A_80 : memref<!tpu.dma_semaphore, #tpu.memory_space<semaphore_mem>>)
        %dma_wait3A = arith.constant 0 : i32
        %dma_wait3A_95 = arith.constant 0 : i32
        %dma_wait3A_96 = arith.constant 0 : i32
        %dma_wait3A_97 = tpu.memref_slice %run_scoped3A_2[%dma_wait3A, %dma_wait3A_95, %dma_wait3A_96] : memref<40x1x128xi32, #tpu.memory_space<vmem>> -> memref<40x1x128xi32, #tpu.memory_space<vmem>>
        %dma_wait3A_98 = arith.constant 0 : i32
        %dma_wait3A_99 = arith.constant 0 : i32
        %dma_wait3A_100 = tpu.memref_slice %arg3[%add3A_18, %dma_wait3A_98, %dma_wait3A_99] : memref<2500x1x128xi32, #tpu.memory_space<hbm>> -> memref<40x1x128xi32, #tpu.memory_space<hbm>>
        %dma_wait3A_101 = arith.constant 0 : i32
        %dma_wait3A_102 = arith.constant 0 : i32
        %dma_wait3A_103 = arith.constant 0 : i32
        %dma_wait3A_104 = tpu.memref_slice %run_scoped3A_2[%dma_wait3A_101, %dma_wait3A_102, %dma_wait3A_103] : memref<40x1x128xi32, #tpu.memory_space<vmem>> -> memref<40x1x128xi32, #tpu.memory_space<vmem>>
        %dma_wait3A_105 = arith.constant 0 : i32
        %dma_wait3A_106 = arith.constant 0 : i32
        %dma_wait3A_107 = tpu.memref_slice %arg3[%add3A_18, %dma_wait3A_105, %dma_wait3A_106] : memref<2500x1x128xi32, #tpu.memory_space<hbm>> -> memref<40x1x128xi32, #tpu.memory_space<hbm>>
        tpu.wait_dma2 semaphore(%run_scoped3A_80 : memref<!tpu.dma_semaphore, #tpu.memory_space<semaphore_mem>>) src(%dma_wait3A_107 : memref<40x1x128xi32, #tpu.memory_space<hbm>>) dst(%dma_wait3A_104 : memref<40x1x128xi32, #tpu.memory_space<vmem>>)
        tpu.yield
      }) : () -> ()
      %add3A_19 = arith.constant 0 : i32
      %add3A_20 = arith.addi %add3A_14, %add3A_19 : i32
      "tpu.region"() ({
        %run_scoped3A_80 = tpu.sem_alloc : memref<!tpu.dma_semaphore, #tpu.memory_space<semaphore_mem>>
        %dma_start3A_81 = arith.constant 0 : i32
        %dma_start3A_82 = arith.constant 0 : i32
        %dma_start3A_83 = arith.constant 0 : i32
        %dma_start3A_84 = tpu.memref_slice %run_scoped3A_1[%dma_start3A_81, %dma_start3A_82, %dma_start3A_83] : memref<40x1x128xi32, #tpu.memory_space<vmem>> -> memref<40x1x128xi32, #tpu.memory_space<vmem>>
        %dma_start3A_85 = arith.constant 0 : i32
        %dma_start3A_86 = arith.constant 0 : i32
        %dma_start3A_87 = tpu.memref_slice %arg4[%add3A_20, %dma_start3A_85, %dma_start3A_86] : memref<2500x1x128xi32, #tpu.memory_space<hbm>> -> memref<40x1x128xi32, #tpu.memory_space<hbm>>
        %dma_start3A_88 = arith.constant 0 : i32
        %dma_start3A_89 = arith.constant 0 : i32
        %dma_start3A_90 = arith.constant 0 : i32
        %dma_start3A_91 = tpu.memref_slice %run_scoped3A_1[%dma_start3A_88, %dma_start3A_89, %dma_start3A_90] : memref<40x1x128xi32, #tpu.memory_space<vmem>> -> memref<40x1x128xi32, #tpu.memory_space<vmem>>
        %dma_start3A_92 = arith.constant 0 : i32
        %dma_start3A_93 = arith.constant 0 : i32
        %dma_start3A_94 = tpu.memref_slice %arg4[%add3A_20, %dma_start3A_92, %dma_start3A_93] : memref<2500x1x128xi32, #tpu.memory_space<hbm>> -> memref<40x1x128xi32, #tpu.memory_space<hbm>>
        tpu.enqueue_dma source(%dma_start3A_94 : memref<40x1x128xi32, #tpu.memory_space<hbm>>) target(%dma_start3A_91 : memref<40x1x128xi32, #tpu.memory_space<vmem>>) target_semaphore(%run_scoped3A_80 : memref<!tpu.dma_semaphore, #tpu.memory_space<semaphore_mem>>)
        %dma_wait3A = arith.constant 0 : i32
        %dma_wait3A_95 = arith.constant 0 : i32
        %dma_wait3A_96 = arith.constant 0 : i32
        %dma_wait3A_97 = tpu.memref_slice %run_scoped3A_1[%dma_wait3A, %dma_wait3A_95, %dma_wait3A_96] : memref<40x1x128xi32, #tpu.memory_space<vmem>> -> memref<40x1x128xi32, #tpu.memory_space<vmem>>
        %dma_wait3A_98 = arith.constant 0 : i32
        %dma_wait3A_99 = arith.constant 0 : i32
        %dma_wait3A_100 = tpu.memref_slice %arg4[%add3A_20, %dma_wait3A_98, %dma_wait3A_99] : memref<2500x1x128xi32, #tpu.memory_space<hbm>> -> memref<40x1x128xi32, #tpu.memory_space<hbm>>
        %dma_wait3A_101 = arith.constant 0 : i32
        %dma_wait3A_102 = arith.constant 0 : i32
        %dma_wait3A_103 = arith.constant 0 : i32
        %dma_wait3A_104 = tpu.memref_slice %run_scoped3A_1[%dma_wait3A_101, %dma_wait3A_102, %dma_wait3A_103] : memref<40x1x128xi32, #tpu.memory_space<vmem>> -> memref<40x1x128xi32, #tpu.memory_space<vmem>>
        %dma_wait3A_105 = arith.constant 0 : i32
        %dma_wait3A_106 = arith.constant 0 : i32
        %dma_wait3A_107 = tpu.memref_slice %arg4[%add3A_20, %dma_wait3A_105, %dma_wait3A_106] : memref<2500x1x128xi32, #tpu.memory_space<hbm>> -> memref<40x1x128xi32, #tpu.memory_space<hbm>>
        tpu.wait_dma2 semaphore(%run_scoped3A_80 : memref<!tpu.dma_semaphore, #tpu.memory_space<semaphore_mem>>) src(%dma_wait3A_107 : memref<40x1x128xi32, #tpu.memory_space<hbm>>) dst(%dma_wait3A_104 : memref<40x1x128xi32, #tpu.memory_space<vmem>>)
        tpu.yield
      }) : () -> ()
      %dma_start3A = arith.constant 0 : i32
      %dma_start3A_21 = arith.constant 0 : i32
      %dma_start3A_22 = arith.constant 0 : i32
      %dma_start3A_23 = tpu.memref_slice %run_scoped3A_2[%dma_start3A, %dma_start3A_21, %dma_start3A_22] : memref<40x1x128xi32, #tpu.memory_space<vmem>> -> memref<1x1x128xi32, #tpu.memory_space<vmem>>
      %dma_start3A_24 = tpu.memref_squeeze %dma_start3A_23 : memref<1x1x128xi32, #tpu.memory_space<vmem>> -> memref<128xi32, #tpu.memory_space<vmem>>
      %dma_start3A_25 = arith.constant 0 : i32
      %dma_start3A_26 = arith.constant 0 : i32
      %dma_start3A_27 = tpu.memref_slice %arg2[%dma_start3A_25, %dma_start3A_26] : memref<10000x128xf32, #tpu.memory_space<hbm>> -> memref<10000x128xf32, #tpu.memory_space<hbm>>
      tpu.enqueue_indirect_dma source(%dma_start3A_27 : memref<10000x128xf32, #tpu.memory_space<hbm>>) target(%run_scoped3A_3 : memref<128x128xf32, #tpu.memory_space<vmem>>) offsets(%dma_start3A_24 : memref<128xi32, #tpu.memory_space<vmem>>) semaphore(%arg8 : memref<!tpu.dma_semaphore, #tpu.memory_space<semaphore_mem>>)
      %dma_start3A_28 = arith.constant 1 : i32
      %dma_start3A_29 = arith.constant 0 : i32
      %dma_start3A_30 = arith.constant 0 : i32
      %dma_start3A_31 = tpu.memref_slice %run_scoped3A_2[%dma_start3A_28, %dma_start3A_29, %dma_start3A_30] : memref<40x1x128xi32, #tpu.memory_space<vmem>> -> memref<1x1x128xi32, #tpu.memory_space<vmem>>
      %dma_start3A_32 = tpu.memref_squeeze %dma_start3A_31 : memref<1x1x128xi32, #tpu.memory_space<vmem>> -> memref<128xi32, #tpu.memory_space<vmem>>
      %dma_start3A_33 = arith.constant 0 : i32
      %dma_start3A_34 = arith.constant 0 : i32
      %dma_start3A_35 = tpu.memref_slice %arg2[%dma_start3A_33, %dma_start3A_34] : memref<10000x128xf32, #tpu.memory_space<hbm>> -> memref<10000x128xf32, #tpu.memory_space<hbm>>
      tpu.enqueue_indirect_dma source(%dma_start3A_35 : memref<10000x128xf32, #tpu.memory_space<hbm>>) target(%run_scoped3A_4 : memref<128x128xf32, #tpu.memory_space<vmem>>) offsets(%dma_start3A_32 : memref<128xi32, #tpu.memory_space<vmem>>) semaphore(%arg9 : memref<!tpu.dma_semaphore, #tpu.memory_space<semaphore_mem>>)
      %scan3A_36 = arith.constant 0 : i32
      %scan3A_37 = arith.constant 0 : i32
      %scan3A_38 = arith.constant 20 : i32
      %scan3A_39 = arith.addi %scan3A_37, %scan3A_38 : i32
      %scan3A_40 = arith.constant 1 : i32
      scf.for %scan3A_80 = %scan3A_37 to %scan3A_39 step %scan3A_40  : i32 {
        %mul3A_81 = arith.constant 2 : i32
        %mul3A_82 = arith.muli %mul3A_81, %scan3A_80 : i32
        %add3A_83 = arith.constant 0 : i32
        %add3A_84 = arith.addi %mul3A_82, %add3A_83 : i32
        %dma_wait3A = arith.constant 0 : i32
        %dma_wait3A_85 = arith.constant 0 : i32
        %dma_wait3A_86 = tpu.memref_slice %run_scoped3A_2[%add3A_84, %dma_wait3A, %dma_wait3A_85] : memref<40x1x128xi32, #tpu.memory_space<vmem>> -> memref<1x1x128xi32, #tpu.memory_space<vmem>>
        %dma_wait3A_87 = tpu.memref_squeeze %dma_wait3A_86 : memref<1x1x128xi32, #tpu.memory_space<vmem>> -> memref<128xi32, #tpu.memory_space<vmem>>
        %dma_wait3A_88 = arith.constant 0 : i32
        %dma_wait3A_89 = arith.constant 0 : i32
        %dma_wait3A_90 = tpu.memref_slice %arg2[%dma_wait3A_88, %dma_wait3A_89] : memref<10000x128xf32, #tpu.memory_space<hbm>> -> memref<10000x128xf32, #tpu.memory_space<hbm>>
        tpu.wait_indirect_dma semaphore(%arg8 : memref<!tpu.dma_semaphore, #tpu.memory_space<semaphore_mem>>) src(%dma_wait3A_90 : memref<10000x128xf32, #tpu.memory_space<hbm>>) dst(%run_scoped3A_3 : memref<128x128xf32, #tpu.memory_space<vmem>>)
        %dma_start3A_91 = arith.constant 0 : i32
        %dma_start3A_92 = arith.constant 0 : i32
        %dma_start3A_93 = tpu.memref_slice %run_scoped3A_1[%add3A_84, %dma_start3A_91, %dma_start3A_92] : memref<40x1x128xi32, #tpu.memory_space<vmem>> -> memref<1x1x128xi32, #tpu.memory_space<vmem>>
        %dma_start3A_94 = tpu.memref_squeeze %dma_start3A_93 : memref<1x1x128xi32, #tpu.memory_space<vmem>> -> memref<128xi32, #tpu.memory_space<vmem>>
        %dma_start3A_95 = arith.constant 0 : i32
        %dma_start3A_96 = arith.constant 0 : i32
        %dma_start3A_97 = tpu.memref_slice %arg7[%dma_start3A_95, %dma_start3A_96] : memref<10240x128xf32, #tpu.memory_space<vmem_shared>> -> memref<10240x128xf32, #tpu.memory_space<vmem_shared>>
        tpu.enqueue_indirect_dma source(%run_scoped3A_3 : memref<128x128xf32, #tpu.memory_space<vmem>>) target(%dma_start3A_97 : memref<10240x128xf32, #tpu.memory_space<vmem_shared>>) offsets(%dma_start3A_94 : memref<128xi32, #tpu.memory_space<vmem>>) semaphore(%arg10 : memref<!tpu.dma_semaphore, #tpu.memory_space<semaphore_mem>>) {add = true}
        %ge3A = arith.constant 0 : i32
        %ge3A_98 = arith.cmpi sge, %add3A_84, %ge3A : i32
        %convert_element_type3A_99 = arith.extui %ge3A_98 : i1 to i32
        %cond3A_100 = arith.constant 0 : i32
        %cond3A_101 = arith.cmpi ne, %convert_element_type3A_99, %cond3A_100 : i32
        scf.if %cond3A_101 {
          %add3A_139 = arith.constant 2 : i32
          %add3A_140 = arith.addi %add3A_84, %add3A_139 : i32
          %sub3A = arith.constant 2 : i32
          %sub3A_141 = arith.subi %add3A_140, %sub3A : i32
          %dma_wait3A_142 = arith.constant 0 : i32
          %dma_wait3A_143 = arith.constant 0 : i32
          %dma_wait3A_144 = tpu.memref_slice %run_scoped3A_1[%sub3A_141, %dma_wait3A_142, %dma_wait3A_143] : memref<40x1x128xi32, #tpu.memory_space<vmem>> -> memref<1x1x128xi32, #tpu.memory_space<vmem>>
          %dma_wait3A_145 = tpu.memref_squeeze %dma_wait3A_144 : memref<1x1x128xi32, #tpu.memory_space<vmem>> -> memref<128xi32, #tpu.memory_space<vmem>>
          %dma_wait3A_146 = arith.constant 0 : i32
          %dma_wait3A_147 = arith.constant 0 : i32
          %dma_wait3A_148 = tpu.memref_slice %arg7[%dma_wait3A_146, %dma_wait3A_147] : memref<10240x128xf32, #tpu.memory_space<vmem_shared>> -> memref<10240x128xf32, #tpu.memory_space<vmem_shared>>
          tpu.wait_indirect_dma semaphore(%arg10 : memref<!tpu.dma_semaphore, #tpu.memory_space<semaphore_mem>>) src(%run_scoped3A_3 : memref<128x128xf32, #tpu.memory_space<vmem>>) dst(%dma_wait3A_148 : memref<10240x128xf32, #tpu.memory_space<vmem_shared>>)
        } else {
        }
        %add3A_102 = arith.constant 2 : i32
        %add3A_103 = arith.addi %add3A_84, %add3A_102 : i32
        %lt3A_104 = arith.constant 40 : i32
        %lt3A_105 = arith.cmpi slt, %add3A_103, %lt3A_104 : i32
        %convert_element_type3A_106 = arith.extui %lt3A_105 : i1 to i32
        %cond3A_107 = arith.constant 0 : i32
        %cond3A_108 = arith.cmpi ne, %convert_element_type3A_106, %cond3A_107 : i32
        scf.if %cond3A_108 {
          %add3A_139 = arith.constant 2 : i32
          %add3A_140 = arith.addi %add3A_84, %add3A_139 : i32
          %dma_start3A_141 = arith.constant 0 : i32
          %dma_start3A_142 = arith.constant 0 : i32
          %dma_start3A_143 = tpu.memref_slice %run_scoped3A_2[%add3A_140, %dma_start3A_141, %dma_start3A_142] : memref<40x1x128xi32, #tpu.memory_space<vmem>> -> memref<1x1x128xi32, #tpu.memory_space<vmem>>
          %dma_start3A_144 = tpu.memref_squeeze %dma_start3A_143 : memref<1x1x128xi32, #tpu.memory_space<vmem>> -> memref<128xi32, #tpu.memory_space<vmem>>
          %dma_start3A_145 = arith.constant 0 : i32
          %dma_start3A_146 = arith.constant 0 : i32
          %dma_start3A_147 = tpu.memref_slice %arg2[%dma_start3A_145, %dma_start3A_146] : memref<10000x128xf32, #tpu.memory_space<hbm>> -> memref<10000x128xf32, #tpu.memory_space<hbm>>
          tpu.enqueue_indirect_dma source(%dma_start3A_147 : memref<10000x128xf32, #tpu.memory_space<hbm>>) target(%run_scoped3A_3 : memref<128x128xf32, #tpu.memory_space<vmem>>) offsets(%dma_start3A_144 : memref<128xi32, #tpu.memory_space<vmem>>) semaphore(%arg8 : memref<!tpu.dma_semaphore, #tpu.memory_space<semaphore_mem>>)
        } else {
        }
        %mul3A_109 = arith.constant 2 : i32
        %mul3A_110 = arith.muli %mul3A_109, %scan3A_80 : i32
        %add3A_111 = arith.constant 1 : i32
        %add3A_112 = arith.addi %mul3A_110, %add3A_111 : i32
        %dma_wait3A_113 = arith.constant 0 : i32
        %dma_wait3A_114 = arith.constant 0 : i32
        %dma_wait3A_115 = tpu.memref_slice %run_scoped3A_2[%add3A_112, %dma_wait3A_113, %dma_wait3A_114] : memref<40x1x128xi32, #tpu.memory_space<vmem>> -> memref<1x1x128xi32, #tpu.memory_space<vmem>>
        %dma_wait3A_116 = tpu.memref_squeeze %dma_wait3A_115 : memref<1x1x128xi32, #tpu.memory_space<vmem>> -> memref<128xi32, #tpu.memory_space<vmem>>
        %dma_wait3A_117 = arith.constant 0 : i32
        %dma_wait3A_118 = arith.constant 0 : i32
        %dma_wait3A_119 = tpu.memref_slice %arg2[%dma_wait3A_117, %dma_wait3A_118] : memref<10000x128xf32, #tpu.memory_space<hbm>> -> memref<10000x128xf32, #tpu.memory_space<hbm>>
        tpu.wait_indirect_dma semaphore(%arg9 : memref<!tpu.dma_semaphore, #tpu.memory_space<semaphore_mem>>) src(%dma_wait3A_119 : memref<10000x128xf32, #tpu.memory_space<hbm>>) dst(%run_scoped3A_4 : memref<128x128xf32, #tpu.memory_space<vmem>>)
        %dma_start3A_120 = arith.constant 0 : i32
        %dma_start3A_121 = arith.constant 0 : i32
        %dma_start3A_122 = tpu.memref_slice %run_scoped3A_1[%add3A_112, %dma_start3A_120, %dma_start3A_121] : memref<40x1x128xi32, #tpu.memory_space<vmem>> -> memref<1x1x128xi32, #tpu.memory_space<vmem>>
        %dma_start3A_123 = tpu.memref_squeeze %dma_start3A_122 : memref<1x1x128xi32, #tpu.memory_space<vmem>> -> memref<128xi32, #tpu.memory_space<vmem>>
        %dma_start3A_124 = arith.constant 0 : i32
        %dma_start3A_125 = arith.constant 0 : i32
        %dma_start3A_126 = tpu.memref_slice %arg7[%dma_start3A_124, %dma_start3A_125] : memref<10240x128xf32, #tpu.memory_space<vmem_shared>> -> memref<10240x128xf32, #tpu.memory_space<vmem_shared>>
        tpu.enqueue_indirect_dma source(%run_scoped3A_4 : memref<128x128xf32, #tpu.memory_space<vmem>>) target(%dma_start3A_126 : memref<10240x128xf32, #tpu.memory_space<vmem_shared>>) offsets(%dma_start3A_123 : memref<128xi32, #tpu.memory_space<vmem>>) semaphore(%arg11 : memref<!tpu.dma_semaphore, #tpu.memory_space<semaphore_mem>>) {add = true}
        %ge3A_127 = arith.constant 0 : i32
        %ge3A_128 = arith.cmpi sge, %add3A_112, %ge3A_127 : i32
        %convert_element_type3A_129 = arith.extui %ge3A_128 : i1 to i32
        %cond3A_130 = arith.constant 0 : i32
        %cond3A_131 = arith.cmpi ne, %convert_element_type3A_129, %cond3A_130 : i32
        scf.if %cond3A_131 {
          %add3A_139 = arith.constant 2 : i32
          %add3A_140 = arith.addi %add3A_112, %add3A_139 : i32
          %sub3A = arith.constant 2 : i32
          %sub3A_141 = arith.subi %add3A_140, %sub3A : i32
          %dma_wait3A_142 = arith.constant 0 : i32
          %dma_wait3A_143 = arith.constant 0 : i32
          %dma_wait3A_144 = tpu.memref_slice %run_scoped3A_1[%sub3A_141, %dma_wait3A_142, %dma_wait3A_143] : memref<40x1x128xi32, #tpu.memory_space<vmem>> -> memref<1x1x128xi32, #tpu.memory_space<vmem>>
          %dma_wait3A_145 = tpu.memref_squeeze %dma_wait3A_144 : memref<1x1x128xi32, #tpu.memory_space<vmem>> -> memref<128xi32, #tpu.memory_space<vmem>>
          %dma_wait3A_146 = arith.constant 0 : i32
          %dma_wait3A_147 = arith.constant 0 : i32
          %dma_wait3A_148 = tpu.memref_slice %arg7[%dma_wait3A_146, %dma_wait3A_147] : memref<10240x128xf32, #tpu.memory_space<vmem_shared>> -> memref<10240x128xf32, #tpu.memory_space<vmem_shared>>
          tpu.wait_indirect_dma semaphore(%arg11 : memref<!tpu.dma_semaphore, #tpu.memory_space<semaphore_mem>>) src(%run_scoped3A_4 : memref<128x128xf32, #tpu.memory_space<vmem>>) dst(%dma_wait3A_148 : memref<10240x128xf32, #tpu.memory_space<vmem_shared>>)
        } else {
        }
        %add3A_132 = arith.constant 2 : i32
        %add3A_133 = arith.addi %add3A_112, %add3A_132 : i32
        %lt3A_134 = arith.constant 40 : i32
        %lt3A_135 = arith.cmpi slt, %add3A_133, %lt3A_134 : i32
        %convert_element_type3A_136 = arith.extui %lt3A_135 : i1 to i32
        %cond3A_137 = arith.constant 0 : i32
        %cond3A_138 = arith.cmpi ne, %convert_element_type3A_136, %cond3A_137 : i32
        scf.if %cond3A_138 {
          %add3A_139 = arith.constant 2 : i32
          %add3A_140 = arith.addi %add3A_112, %add3A_139 : i32
          %dma_start3A_141 = arith.constant 0 : i32
          %dma_start3A_142 = arith.constant 0 : i32
          %dma_start3A_143 = tpu.memref_slice %run_scoped3A_2[%add3A_140, %dma_start3A_141, %dma_start3A_142] : memref<40x1x128xi32, #tpu.memory_space<vmem>> -> memref<1x1x128xi32, #tpu.memory_space<vmem>>
          %dma_start3A_144 = tpu.memref_squeeze %dma_start3A_143 : memref<1x1x128xi32, #tpu.memory_space<vmem>> -> memref<128xi32, #tpu.memory_space<vmem>>
          %dma_start3A_145 = arith.constant 0 : i32
          %dma_start3A_146 = arith.constant 0 : i32
          %dma_start3A_147 = tpu.memref_slice %arg2[%dma_start3A_145, %dma_start3A_146] : memref<10000x128xf32, #tpu.memory_space<hbm>> -> memref<10000x128xf32, #tpu.memory_space<hbm>>
          tpu.enqueue_indirect_dma source(%dma_start3A_147 : memref<10000x128xf32, #tpu.memory_space<hbm>>) target(%run_scoped3A_4 : memref<128x128xf32, #tpu.memory_space<vmem>>) offsets(%dma_start3A_144 : memref<128xi32, #tpu.memory_space<vmem>>) semaphore(%arg9 : memref<!tpu.dma_semaphore, #tpu.memory_space<semaphore_mem>>)
        } else {
        }
      }
      %scan3A_41 = arith.constant 20 : i32
      %add3A_42 = arith.constant 40 : i32
      %add3A_43 = arith.addi %add3A_14, %add3A_42 : i32
      "tpu.region"() ({
        %run_scoped3A_80 = tpu.sem_alloc : memref<!tpu.dma_semaphore, #tpu.memory_space<semaphore_mem>>
        %dma_start3A_81 = arith.constant 0 : i32
        %dma_start3A_82 = arith.constant 0 : i32
        %dma_start3A_83 = arith.constant 0 : i32
        %dma_start3A_84 = tpu.memref_slice %run_scoped3A_2[%dma_start3A_81, %dma_start3A_82, %dma_start3A_83] : memref<40x1x128xi32, #tpu.memory_space<vmem>> -> memref<38x1x128xi32, #tpu.memory_space<vmem>>
        %dma_start3A_85 = arith.constant 0 : i32
        %dma_start3A_86 = arith.constant 0 : i32
        %dma_start3A_87 = tpu.memref_slice %arg3[%add3A_43, %dma_start3A_85, %dma_start3A_86] : memref<2500x1x128xi32, #tpu.memory_space<hbm>> -> memref<38x1x128xi32, #tpu.memory_space<hbm>>
        %dma_start3A_88 = arith.constant 0 : i32
        %dma_start3A_89 = arith.constant 0 : i32
        %dma_start3A_90 = arith.constant 0 : i32
        %dma_start3A_91 = tpu.memref_slice %run_scoped3A_2[%dma_start3A_88, %dma_start3A_89, %dma_start3A_90] : memref<40x1x128xi32, #tpu.memory_space<vmem>> -> memref<38x1x128xi32, #tpu.memory_space<vmem>>
        %dma_start3A_92 = arith.constant 0 : i32
        %dma_start3A_93 = arith.constant 0 : i32
        %dma_start3A_94 = tpu.memref_slice %arg3[%add3A_43, %dma_start3A_92, %dma_start3A_93] : memref<2500x1x128xi32, #tpu.memory_space<hbm>> -> memref<38x1x128xi32, #tpu.memory_space<hbm>>
        tpu.enqueue_dma source(%dma_start3A_94 : memref<38x1x128xi32, #tpu.memory_space<hbm>>) target(%dma_start3A_91 : memref<38x1x128xi32, #tpu.memory_space<vmem>>) target_semaphore(%run_scoped3A_80 : memref<!tpu.dma_semaphore, #tpu.memory_space<semaphore_mem>>)
        %dma_wait3A = arith.constant 0 : i32
        %dma_wait3A_95 = arith.constant 0 : i32
        %dma_wait3A_96 = arith.constant 0 : i32
        %dma_wait3A_97 = tpu.memref_slice %run_scoped3A_2[%dma_wait3A, %dma_wait3A_95, %dma_wait3A_96] : memref<40x1x128xi32, #tpu.memory_space<vmem>> -> memref<38x1x128xi32, #tpu.memory_space<vmem>>
        %dma_wait3A_98 = arith.constant 0 : i32
        %dma_wait3A_99 = arith.constant 0 : i32
        %dma_wait3A_100 = tpu.memref_slice %arg3[%add3A_43, %dma_wait3A_98, %dma_wait3A_99] : memref<2500x1x128xi32, #tpu.memory_space<hbm>> -> memref<38x1x128xi32, #tpu.memory_space<hbm>>
        %dma_wait3A_101 = arith.constant 0 : i32
        %dma_wait3A_102 = arith.constant 0 : i32
        %dma_wait3A_103 = arith.constant 0 : i32
        %dma_wait3A_104 = tpu.memref_slice %run_scoped3A_2[%dma_wait3A_101, %dma_wait3A_102, %dma_wait3A_103] : memref<40x1x128xi32, #tpu.memory_space<vmem>> -> memref<38x1x128xi32, #tpu.memory_space<vmem>>
        %dma_wait3A_105 = arith.constant 0 : i32
        %dma_wait3A_106 = arith.constant 0 : i32
        %dma_wait3A_107 = tpu.memref_slice %arg3[%add3A_43, %dma_wait3A_105, %dma_wait3A_106] : memref<2500x1x128xi32, #tpu.memory_space<hbm>> -> memref<38x1x128xi32, #tpu.memory_space<hbm>>
        tpu.wait_dma2 semaphore(%run_scoped3A_80 : memref<!tpu.dma_semaphore, #tpu.memory_space<semaphore_mem>>) src(%dma_wait3A_107 : memref<38x1x128xi32, #tpu.memory_space<hbm>>) dst(%dma_wait3A_104 : memref<38x1x128xi32, #tpu.memory_space<vmem>>)
        tpu.yield
      }) : () -> ()
      %add3A_44 = arith.constant 40 : i32
      %add3A_45 = arith.addi %add3A_14, %add3A_44 : i32
      "tpu.region"() ({
        %run_scoped3A_80 = tpu.sem_alloc : memref<!tpu.dma_semaphore, #tpu.memory_space<semaphore_mem>>
        %dma_start3A_81 = arith.constant 0 : i32
        %dma_start3A_82 = arith.constant 0 : i32
        %dma_start3A_83 = arith.constant 0 : i32
        %dma_start3A_84 = tpu.memref_slice %run_scoped3A_1[%dma_start3A_81, %dma_start3A_82, %dma_start3A_83] : memref<40x1x128xi32, #tpu.memory_space<vmem>> -> memref<38x1x128xi32, #tpu.memory_space<vmem>>
        %dma_start3A_85 = arith.constant 0 : i32
        %dma_start3A_86 = arith.constant 0 : i32
        %dma_start3A_87 = tpu.memref_slice %arg4[%add3A_45, %dma_start3A_85, %dma_start3A_86] : memref<2500x1x128xi32, #tpu.memory_space<hbm>> -> memref<38x1x128xi32, #tpu.memory_space<hbm>>
        %dma_start3A_88 = arith.constant 0 : i32
        %dma_start3A_89 = arith.constant 0 : i32
        %dma_start3A_90 = arith.constant 0 : i32
        %dma_start3A_91 = tpu.memref_slice %run_scoped3A_1[%dma_start3A_88, %dma_start3A_89, %dma_start3A_90] : memref<40x1x128xi32, #tpu.memory_space<vmem>> -> memref<38x1x128xi32, #tpu.memory_space<vmem>>
        %dma_start3A_92 = arith.constant 0 : i32
        %dma_start3A_93 = arith.constant 0 : i32
        %dma_start3A_94 = tpu.memref_slice %arg4[%add3A_45, %dma_start3A_92, %dma_start3A_93] : memref<2500x1x128xi32, #tpu.memory_space<hbm>> -> memref<38x1x128xi32, #tpu.memory_space<hbm>>
        tpu.enqueue_dma source(%dma_start3A_94 : memref<38x1x128xi32, #tpu.memory_space<hbm>>) target(%dma_start3A_91 : memref<38x1x128xi32, #tpu.memory_space<vmem>>) target_semaphore(%run_scoped3A_80 : memref<!tpu.dma_semaphore, #tpu.memory_space<semaphore_mem>>)
        %dma_wait3A = arith.constant 0 : i32
        %dma_wait3A_95 = arith.constant 0 : i32
        %dma_wait3A_96 = arith.constant 0 : i32
        %dma_wait3A_97 = tpu.memref_slice %run_scoped3A_1[%dma_wait3A, %dma_wait3A_95, %dma_wait3A_96] : memref<40x1x128xi32, #tpu.memory_space<vmem>> -> memref<38x1x128xi32, #tpu.memory_space<vmem>>
        %dma_wait3A_98 = arith.constant 0 : i32
        %dma_wait3A_99 = arith.constant 0 : i32
        %dma_wait3A_100 = tpu.memref_slice %arg4[%add3A_45, %dma_wait3A_98, %dma_wait3A_99] : memref<2500x1x128xi32, #tpu.memory_space<hbm>> -> memref<38x1x128xi32, #tpu.memory_space<hbm>>
        %dma_wait3A_101 = arith.constant 0 : i32
        %dma_wait3A_102 = arith.constant 0 : i32
        %dma_wait3A_103 = arith.constant 0 : i32
        %dma_wait3A_104 = tpu.memref_slice %run_scoped3A_1[%dma_wait3A_101, %dma_wait3A_102, %dma_wait3A_103] : memref<40x1x128xi32, #tpu.memory_space<vmem>> -> memref<38x1x128xi32, #tpu.memory_space<vmem>>
        %dma_wait3A_105 = arith.constant 0 : i32
        %dma_wait3A_106 = arith.constant 0 : i32
        %dma_wait3A_107 = tpu.memref_slice %arg4[%add3A_45, %dma_wait3A_105, %dma_wait3A_106] : memref<2500x1x128xi32, #tpu.memory_space<hbm>> -> memref<38x1x128xi32, #tpu.memory_space<hbm>>
        tpu.wait_dma2 semaphore(%run_scoped3A_80 : memref<!tpu.dma_semaphore, #tpu.memory_space<semaphore_mem>>) src(%dma_wait3A_107 : memref<38x1x128xi32, #tpu.memory_space<hbm>>) dst(%dma_wait3A_104 : memref<38x1x128xi32, #tpu.memory_space<vmem>>)
        tpu.yield
      }) : () -> ()
      %dma_start3A_46 = arith.constant 0 : i32
      %dma_start3A_47 = arith.constant 0 : i32
      %dma_start3A_48 = arith.constant 0 : i32
      %dma_start3A_49 = tpu.memref_slice %run_scoped3A_2[%dma_start3A_46, %dma_start3A_47, %dma_start3A_48] : memref<40x1x128xi32, #tpu.memory_space<vmem>> -> memref<1x1x128xi32, #tpu.memory_space<vmem>>
      %dma_start3A_50 = tpu.memref_squeeze %dma_start3A_49 : memref<1x1x128xi32, #tpu.memory_space<vmem>> -> memref<128xi32, #tpu.memory_space<vmem>>
      %dma_start3A_51 = arith.constant 0 : i32
      %dma_start3A_52 = arith.constant 0 : i32
      %dma_start3A_53 = tpu.memref_slice %arg2[%dma_start3A_51, %dma_start3A_52] : memref<10000x128xf32, #tpu.memory_space<hbm>> -> memref<10000x128xf32, #tpu.memory_space<hbm>>
      tpu.enqueue_indirect_dma source(%dma_start3A_53 : memref<10000x128xf32, #tpu.memory_space<hbm>>) target(%run_scoped3A_3 : memref<128x128xf32, #tpu.memory_space<vmem>>) offsets(%dma_start3A_50 : memref<128xi32, #tpu.memory_space<vmem>>) semaphore(%arg8 : memref<!tpu.dma_semaphore, #tpu.memory_space<semaphore_mem>>)
      %dma_start3A_54 = arith.constant 1 : i32
      %dma_start3A_55 = arith.constant 0 : i32
      %dma_start3A_56 = arith.constant 0 : i32
      %dma_start3A_57 = tpu.memref_slice %run_scoped3A_2[%dma_start3A_54, %dma_start3A_55, %dma_start3A_56] : memref<40x1x128xi32, #tpu.memory_space<vmem>> -> memref<1x1x128xi32, #tpu.memory_space<vmem>>
      %dma_start3A_58 = tpu.memref_squeeze %dma_start3A_57 : memref<1x1x128xi32, #tpu.memory_space<vmem>> -> memref<128xi32, #tpu.memory_space<vmem>>
      %dma_start3A_59 = arith.constant 0 : i32
      %dma_start3A_60 = arith.constant 0 : i32
      %dma_start3A_61 = tpu.memref_slice %arg2[%dma_start3A_59, %dma_start3A_60] : memref<10000x128xf32, #tpu.memory_space<hbm>> -> memref<10000x128xf32, #tpu.memory_space<hbm>>
      tpu.enqueue_indirect_dma source(%dma_start3A_61 : memref<10000x128xf32, #tpu.memory_space<hbm>>) target(%run_scoped3A_4 : memref<128x128xf32, #tpu.memory_space<vmem>>) offsets(%dma_start3A_58 : memref<128xi32, #tpu.memory_space<vmem>>) semaphore(%arg9 : memref<!tpu.dma_semaphore, #tpu.memory_space<semaphore_mem>>)
      %scan3A_62 = arith.constant 0 : i32
      %scan3A_63 = arith.constant 0 : i32
      %scan3A_64 = arith.constant 19 : i32
      %scan3A_65 = arith.addi %scan3A_63, %scan3A_64 : i32
      %scan3A_66 = arith.constant 1 : i32
      scf.for %scan3A_80 = %scan3A_63 to %scan3A_65 step %scan3A_66  : i32 {
        %mul3A_81 = arith.constant 2 : i32
        %mul3A_82 = arith.muli %mul3A_81, %scan3A_80 : i32
        %add3A_83 = arith.constant 0 : i32
        %add3A_84 = arith.addi %mul3A_82, %add3A_83 : i32
        %dma_wait3A = arith.constant 0 : i32
        %dma_wait3A_85 = arith.constant 0 : i32
        %dma_wait3A_86 = tpu.memref_slice %run_scoped3A_2[%add3A_84, %dma_wait3A, %dma_wait3A_85] : memref<40x1x128xi32, #tpu.memory_space<vmem>> -> memref<1x1x128xi32, #tpu.memory_space<vmem>>
        %dma_wait3A_87 = tpu.memref_squeeze %dma_wait3A_86 : memref<1x1x128xi32, #tpu.memory_space<vmem>> -> memref<128xi32, #tpu.memory_space<vmem>>
        %dma_wait3A_88 = arith.constant 0 : i32
        %dma_wait3A_89 = arith.constant 0 : i32
        %dma_wait3A_90 = tpu.memref_slice %arg2[%dma_wait3A_88, %dma_wait3A_89] : memref<10000x128xf32, #tpu.memory_space<hbm>> -> memref<10000x128xf32, #tpu.memory_space<hbm>>
        tpu.wait_indirect_dma semaphore(%arg8 : memref<!tpu.dma_semaphore, #tpu.memory_space<semaphore_mem>>) src(%dma_wait3A_90 : memref<10000x128xf32, #tpu.memory_space<hbm>>) dst(%run_scoped3A_3 : memref<128x128xf32, #tpu.memory_space<vmem>>)
        %dma_start3A_91 = arith.constant 0 : i32
        %dma_start3A_92 = arith.constant 0 : i32
        %dma_start3A_93 = tpu.memref_slice %run_scoped3A_1[%add3A_84, %dma_start3A_91, %dma_start3A_92] : memref<40x1x128xi32, #tpu.memory_space<vmem>> -> memref<1x1x128xi32, #tpu.memory_space<vmem>>
        %dma_start3A_94 = tpu.memref_squeeze %dma_start3A_93 : memref<1x1x128xi32, #tpu.memory_space<vmem>> -> memref<128xi32, #tpu.memory_space<vmem>>
        %dma_start3A_95 = arith.constant 0 : i32
        %dma_start3A_96 = arith.constant 0 : i32
        %dma_start3A_97 = tpu.memref_slice %arg7[%dma_start3A_95, %dma_start3A_96] : memref<10240x128xf32, #tpu.memory_space<vmem_shared>> -> memref<10240x128xf32, #tpu.memory_space<vmem_shared>>
        tpu.enqueue_indirect_dma source(%run_scoped3A_3 : memref<128x128xf32, #tpu.memory_space<vmem>>) target(%dma_start3A_97 : memref<10240x128xf32, #tpu.memory_space<vmem_shared>>) offsets(%dma_start3A_94 : memref<128xi32, #tpu.memory_space<vmem>>) semaphore(%arg10 : memref<!tpu.dma_semaphore, #tpu.memory_space<semaphore_mem>>) {add = true}
        %ge3A = arith.constant 0 : i32
        %ge3A_98 = arith.cmpi sge, %add3A_84, %ge3A : i32
        %convert_element_type3A_99 = arith.extui %ge3A_98 : i1 to i32
        %cond3A_100 = arith.constant 0 : i32
        %cond3A_101 = arith.cmpi ne, %convert_element_type3A_99, %cond3A_100 : i32
        scf.if %cond3A_101 {
          %add3A_139 = arith.constant 2 : i32
          %add3A_140 = arith.addi %add3A_84, %add3A_139 : i32
          %sub3A = arith.constant 2 : i32
          %sub3A_141 = arith.subi %add3A_140, %sub3A : i32
          %dma_wait3A_142 = arith.constant 0 : i32
          %dma_wait3A_143 = arith.constant 0 : i32
          %dma_wait3A_144 = tpu.memref_slice %run_scoped3A_1[%sub3A_141, %dma_wait3A_142, %dma_wait3A_143] : memref<40x1x128xi32, #tpu.memory_space<vmem>> -> memref<1x1x128xi32, #tpu.memory_space<vmem>>
          %dma_wait3A_145 = tpu.memref_squeeze %dma_wait3A_144 : memref<1x1x128xi32, #tpu.memory_space<vmem>> -> memref<128xi32, #tpu.memory_space<vmem>>
          %dma_wait3A_146 = arith.constant 0 : i32
          %dma_wait3A_147 = arith.constant 0 : i32
          %dma_wait3A_148 = tpu.memref_slice %arg7[%dma_wait3A_146, %dma_wait3A_147] : memref<10240x128xf32, #tpu.memory_space<vmem_shared>> -> memref<10240x128xf32, #tpu.memory_space<vmem_shared>>
          tpu.wait_indirect_dma semaphore(%arg10 : memref<!tpu.dma_semaphore, #tpu.memory_space<semaphore_mem>>) src(%run_scoped3A_3 : memref<128x128xf32, #tpu.memory_space<vmem>>) dst(%dma_wait3A_148 : memref<10240x128xf32, #tpu.memory_space<vmem_shared>>)
        } else {
        }
        %add3A_102 = arith.constant 2 : i32
        %add3A_103 = arith.addi %add3A_84, %add3A_102 : i32
        %lt3A_104 = arith.constant 38 : i32
        %lt3A_105 = arith.cmpi slt, %add3A_103, %lt3A_104 : i32
        %convert_element_type3A_106 = arith.extui %lt3A_105 : i1 to i32
        %cond3A_107 = arith.constant 0 : i32
        %cond3A_108 = arith.cmpi ne, %convert_element_type3A_106, %cond3A_107 : i32
        scf.if %cond3A_108 {
          %add3A_139 = arith.constant 2 : i32
          %add3A_140 = arith.addi %add3A_84, %add3A_139 : i32
          %dma_start3A_141 = arith.constant 0 : i32
          %dma_start3A_142 = arith.constant 0 : i32
          %dma_start3A_143 = tpu.memref_slice %run_scoped3A_2[%add3A_140, %dma_start3A_141, %dma_start3A_142] : memref<40x1x128xi32, #tpu.memory_space<vmem>> -> memref<1x1x128xi32, #tpu.memory_space<vmem>>
          %dma_start3A_144 = tpu.memref_squeeze %dma_start3A_143 : memref<1x1x128xi32, #tpu.memory_space<vmem>> -> memref<128xi32, #tpu.memory_space<vmem>>
          %dma_start3A_145 = arith.constant 0 : i32
          %dma_start3A_146 = arith.constant 0 : i32
          %dma_start3A_147 = tpu.memref_slice %arg2[%dma_start3A_145, %dma_start3A_146] : memref<10000x128xf32, #tpu.memory_space<hbm>> -> memref<10000x128xf32, #tpu.memory_space<hbm>>
          tpu.enqueue_indirect_dma source(%dma_start3A_147 : memref<10000x128xf32, #tpu.memory_space<hbm>>) target(%run_scoped3A_3 : memref<128x128xf32, #tpu.memory_space<vmem>>) offsets(%dma_start3A_144 : memref<128xi32, #tpu.memory_space<vmem>>) semaphore(%arg8 : memref<!tpu.dma_semaphore, #tpu.memory_space<semaphore_mem>>)
        } else {
        }
        %mul3A_109 = arith.constant 2 : i32
        %mul3A_110 = arith.muli %mul3A_109, %scan3A_80 : i32
        %add3A_111 = arith.constant 1 : i32
        %add3A_112 = arith.addi %mul3A_110, %add3A_111 : i32
        %dma_wait3A_113 = arith.constant 0 : i32
        %dma_wait3A_114 = arith.constant 0 : i32
        %dma_wait3A_115 = tpu.memref_slice %run_scoped3A_2[%add3A_112, %dma_wait3A_113, %dma_wait3A_114] : memref<40x1x128xi32, #tpu.memory_space<vmem>> -> memref<1x1x128xi32, #tpu.memory_space<vmem>>
        %dma_wait3A_116 = tpu.memref_squeeze %dma_wait3A_115 : memref<1x1x128xi32, #tpu.memory_space<vmem>> -> memref<128xi32, #tpu.memory_space<vmem>>
        %dma_wait3A_117 = arith.constant 0 : i32
        %dma_wait3A_118 = arith.constant 0 : i32
        %dma_wait3A_119 = tpu.memref_slice %arg2[%dma_wait3A_117, %dma_wait3A_118] : memref<10000x128xf32, #tpu.memory_space<hbm>> -> memref<10000x128xf32, #tpu.memory_space<hbm>>
        tpu.wait_indirect_dma semaphore(%arg9 : memref<!tpu.dma_semaphore, #tpu.memory_space<semaphore_mem>>) src(%dma_wait3A_119 : memref<10000x128xf32, #tpu.memory_space<hbm>>) dst(%run_scoped3A_4 : memref<128x128xf32, #tpu.memory_space<vmem>>)
        %dma_start3A_120 = arith.constant 0 : i32
        %dma_start3A_121 = arith.constant 0 : i32
        %dma_start3A_122 = tpu.memref_slice %run_scoped3A_1[%add3A_112, %dma_start3A_120, %dma_start3A_121] : memref<40x1x128xi32, #tpu.memory_space<vmem>> -> memref<1x1x128xi32, #tpu.memory_space<vmem>>
        %dma_start3A_123 = tpu.memref_squeeze %dma_start3A_122 : memref<1x1x128xi32, #tpu.memory_space<vmem>> -> memref<128xi32, #tpu.memory_space<vmem>>
        %dma_start3A_124 = arith.constant 0 : i32
        %dma_start3A_125 = arith.constant 0 : i32
        %dma_start3A_126 = tpu.memref_slice %arg7[%dma_start3A_124, %dma_start3A_125] : memref<10240x128xf32, #tpu.memory_space<vmem_shared>> -> memref<10240x128xf32, #tpu.memory_space<vmem_shared>>
        tpu.enqueue_indirect_dma source(%run_scoped3A_4 : memref<128x128xf32, #tpu.memory_space<vmem>>) target(%dma_start3A_126 : memref<10240x128xf32, #tpu.memory_space<vmem_shared>>) offsets(%dma_start3A_123 : memref<128xi32, #tpu.memory_space<vmem>>) semaphore(%arg11 : memref<!tpu.dma_semaphore, #tpu.memory_space<semaphore_mem>>) {add = true}
        %ge3A_127 = arith.constant 0 : i32
        %ge3A_128 = arith.cmpi sge, %add3A_112, %ge3A_127 : i32
        %convert_element_type3A_129 = arith.extui %ge3A_128 : i1 to i32
        %cond3A_130 = arith.constant 0 : i32
        %cond3A_131 = arith.cmpi ne, %convert_element_type3A_129, %cond3A_130 : i32
        scf.if %cond3A_131 {
          %add3A_139 = arith.constant 2 : i32
          %add3A_140 = arith.addi %add3A_112, %add3A_139 : i32
          %sub3A = arith.constant 2 : i32
          %sub3A_141 = arith.subi %add3A_140, %sub3A : i32
          %dma_wait3A_142 = arith.constant 0 : i32
          %dma_wait3A_143 = arith.constant 0 : i32
          %dma_wait3A_144 = tpu.memref_slice %run_scoped3A_1[%sub3A_141, %dma_wait3A_142, %dma_wait3A_143] : memref<40x1x128xi32, #tpu.memory_space<vmem>> -> memref<1x1x128xi32, #tpu.memory_space<vmem>>
          %dma_wait3A_145 = tpu.memref_squeeze %dma_wait3A_144 : memref<1x1x128xi32, #tpu.memory_space<vmem>> -> memref<128xi32, #tpu.memory_space<vmem>>
          %dma_wait3A_146 = arith.constant 0 : i32
          %dma_wait3A_147 = arith.constant 0 : i32
          %dma_wait3A_148 = tpu.memref_slice %arg7[%dma_wait3A_146, %dma_wait3A_147] : memref<10240x128xf32, #tpu.memory_space<vmem_shared>> -> memref<10240x128xf32, #tpu.memory_space<vmem_shared>>
          tpu.wait_indirect_dma semaphore(%arg11 : memref<!tpu.dma_semaphore, #tpu.memory_space<semaphore_mem>>) src(%run_scoped3A_4 : memref<128x128xf32, #tpu.memory_space<vmem>>) dst(%dma_wait3A_148 : memref<10240x128xf32, #tpu.memory_space<vmem_shared>>)
        } else {
        }
        %add3A_132 = arith.constant 2 : i32
        %add3A_133 = arith.addi %add3A_112, %add3A_132 : i32
        %lt3A_134 = arith.constant 38 : i32
        %lt3A_135 = arith.cmpi slt, %add3A_133, %lt3A_134 : i32
        %convert_element_type3A_136 = arith.extui %lt3A_135 : i1 to i32
        %cond3A_137 = arith.constant 0 : i32
        %cond3A_138 = arith.cmpi ne, %convert_element_type3A_136, %cond3A_137 : i32
        scf.if %cond3A_138 {
          %add3A_139 = arith.constant 2 : i32
          %add3A_140 = arith.addi %add3A_112, %add3A_139 : i32
          %dma_start3A_141 = arith.constant 0 : i32
          %dma_start3A_142 = arith.constant 0 : i32
          %dma_start3A_143 = tpu.memref_slice %run_scoped3A_2[%add3A_140, %dma_start3A_141, %dma_start3A_142] : memref<40x1x128xi32, #tpu.memory_space<vmem>> -> memref<1x1x128xi32, #tpu.memory_space<vmem>>
          %dma_start3A_144 = tpu.memref_squeeze %dma_start3A_143 : memref<1x1x128xi32, #tpu.memory_space<vmem>> -> memref<128xi32, #tpu.memory_space<vmem>>
          %dma_start3A_145 = arith.constant 0 : i32
          %dma_start3A_146 = arith.constant 0 : i32
          %dma_start3A_147 = tpu.memref_slice %arg2[%dma_start3A_145, %dma_start3A_146] : memref<10000x128xf32, #tpu.memory_space<hbm>> -> memref<10000x128xf32, #tpu.memory_space<hbm>>
          tpu.enqueue_indirect_dma source(%dma_start3A_147 : memref<10000x128xf32, #tpu.memory_space<hbm>>) target(%run_scoped3A_4 : memref<128x128xf32, #tpu.memory_space<vmem>>) offsets(%dma_start3A_144 : memref<128xi32, #tpu.memory_space<vmem>>) semaphore(%arg9 : memref<!tpu.dma_semaphore, #tpu.memory_space<semaphore_mem>>)
        } else {
        }
      }
      %scan3A_67 = arith.constant 19 : i32
      %lt3A_68 = arith.constant 4 : i32
      %lt3A_69 = arith.cmpi slt, %add3A, %lt3A_68 : i32
      %convert_element_type3A_70 = arith.extui %lt3A_69 : i1 to i32
      %cond3A_71 = arith.constant 0 : i32
      %cond3A_72 = arith.cmpi ne, %convert_element_type3A_70, %cond3A_71 : i32
      scf.if %cond3A_72 {
        %run_scoped3A_80 = arith.constant 0 : i32
        %run_scoped3A_81 = arith.constant 0 : i32
        "tpu.region"() ({
          %run_scoped3A_84 = tpu.sem_alloc : memref<!tpu.dma_semaphore, #tpu.memory_space<semaphore_mem>>
          %dma_start3A_85 = arith.constant 0 : i32
          %dma_start3A_86 = tpu.memref_slice %run_scoped3A_0[%run_scoped3A_80, %run_scoped3A_81, %dma_start3A_85] : memref<1x1x128xi32, #tpu.memory_space<vmem>> -> memref<1x1x128xi32, #tpu.memory_space<vmem>>
          %dma_start3A_87 = tpu.memref_squeeze %dma_start3A_86 : memref<1x1x128xi32, #tpu.memory_space<vmem>> -> memref<128xi32, #tpu.memory_space<vmem>>
          %dma_start3A_88 = arith.constant 0 : i32
          %dma_start3A_89 = arith.constant 0 : i32
          %dma_start3A_90 = tpu.memref_slice %arg2[%dma_start3A_88, %dma_start3A_89] : memref<10000x128xf32, #tpu.memory_space<hbm>> -> memref<10000x128xf32, #tpu.memory_space<hbm>>
          tpu.enqueue_indirect_dma source(%dma_start3A_90 : memref<10000x128xf32, #tpu.memory_space<hbm>>) target(%run_scoped3A_3 : memref<128x128xf32, #tpu.memory_space<vmem>>) offsets(%dma_start3A_87 : memref<128xi32, #tpu.memory_space<vmem>>) semaphore(%run_scoped3A_84 : memref<!tpu.dma_semaphore, #tpu.memory_space<semaphore_mem>>)
          %dma_wait3A = arith.constant 0 : i32
          %dma_wait3A_91 = tpu.memref_slice %run_scoped3A_0[%run_scoped3A_80, %run_scoped3A_81, %dma_wait3A] : memref<1x1x128xi32, #tpu.memory_space<vmem>> -> memref<1x1x128xi32, #tpu.memory_space<vmem>>
          %dma_wait3A_92 = tpu.memref_squeeze %dma_wait3A_91 : memref<1x1x128xi32, #tpu.memory_space<vmem>> -> memref<128xi32, #tpu.memory_space<vmem>>
          %dma_wait3A_93 = arith.constant 0 : i32
          %dma_wait3A_94 = arith.constant 0 : i32
          %dma_wait3A_95 = tpu.memref_slice %arg2[%dma_wait3A_93, %dma_wait3A_94] : memref<10000x128xf32, #tpu.memory_space<hbm>> -> memref<10000x128xf32, #tpu.memory_space<hbm>>
          tpu.wait_indirect_dma semaphore(%run_scoped3A_84 : memref<!tpu.dma_semaphore, #tpu.memory_space<semaphore_mem>>) src(%dma_wait3A_95 : memref<10000x128xf32, #tpu.memory_space<hbm>>) dst(%run_scoped3A_3 : memref<128x128xf32, #tpu.memory_space<vmem>>)
          tpu.yield
        }) : () -> ()
        %run_scoped3A_82 = arith.constant 0 : i32
        %run_scoped3A_83 = arith.constant 0 : i32
        "tpu.region"() ({
          %run_scoped3A_84 = tpu.sem_alloc : memref<!tpu.dma_semaphore, #tpu.memory_space<semaphore_mem>>
          %dma_start3A_85 = arith.constant 0 : i32
          %dma_start3A_86 = tpu.memref_slice %run_scoped3A[%run_scoped3A_82, %run_scoped3A_83, %dma_start3A_85] : memref<1x1x128xi32, #tpu.memory_space<vmem>> -> memref<1x1x128xi32, #tpu.memory_space<vmem>>
          %dma_start3A_87 = tpu.memref_squeeze %dma_start3A_86 : memref<1x1x128xi32, #tpu.memory_space<vmem>> -> memref<128xi32, #tpu.memory_space<vmem>>
          %dma_start3A_88 = arith.constant 0 : i32
          %dma_start3A_89 = arith.constant 0 : i32
          %dma_start3A_90 = tpu.memref_slice %arg7[%dma_start3A_88, %dma_start3A_89] : memref<10240x128xf32, #tpu.memory_space<vmem_shared>> -> memref<10240x128xf32, #tpu.memory_space<vmem_shared>>
          tpu.enqueue_indirect_dma source(%run_scoped3A_3 : memref<128x128xf32, #tpu.memory_space<vmem>>) target(%dma_start3A_90 : memref<10240x128xf32, #tpu.memory_space<vmem_shared>>) offsets(%dma_start3A_87 : memref<128xi32, #tpu.memory_space<vmem>>) semaphore(%run_scoped3A_84 : memref<!tpu.dma_semaphore, #tpu.memory_space<semaphore_mem>>) {add = true}
          %dma_wait3A = arith.constant 0 : i32
          %dma_wait3A_91 = tpu.memref_slice %run_scoped3A[%run_scoped3A_82, %run_scoped3A_83, %dma_wait3A] : memref<1x1x128xi32, #tpu.memory_space<vmem>> -> memref<1x1x128xi32, #tpu.memory_space<vmem>>
          %dma_wait3A_92 = tpu.memref_squeeze %dma_wait3A_91 : memref<1x1x128xi32, #tpu.memory_space<vmem>> -> memref<128xi32, #tpu.memory_space<vmem>>
          %dma_wait3A_93 = arith.constant 0 : i32
          %dma_wait3A_94 = arith.constant 0 : i32
          %dma_wait3A_95 = tpu.memref_slice %arg7[%dma_wait3A_93, %dma_wait3A_94] : memref<10240x128xf32, #tpu.memory_space<vmem_shared>> -> memref<10240x128xf32, #tpu.memory_space<vmem_shared>>
          tpu.wait_indirect_dma semaphore(%run_scoped3A_84 : memref<!tpu.dma_semaphore, #tpu.memory_space<semaphore_mem>>) src(%run_scoped3A_3 : memref<128x128xf32, #tpu.memory_space<vmem>>) dst(%dma_wait3A_95 : memref<10240x128xf32, #tpu.memory_space<vmem_shared>>)
          tpu.yield
        }) : () -> ()
      } else {
      }
      %barrier3A_73 = arith.constant 0 : index
      tpu.barrier barrier_id(%barrier3A_73)
      %scan3A_74 = arith.constant 0 : i32
      %scan3A_75 = arith.constant 0 : i32
      %scan3A_76 = arith.constant 10 : i32
      %scan3A_77 = arith.addi %scan3A_75, %scan3A_76 : i32
      %scan3A_78 = arith.constant 1 : i32
      scf.for %scan3A_80 = %scan3A_75 to %scan3A_77 step %scan3A_78  : i32 {
        %mul3A_81 = arith.constant 640 : i32
        %mul3A_82 = arith.muli %arg1, %mul3A_81 : i32
        %mul3A_83 = arith.constant 64 : i32
        %mul3A_84 = arith.muli %scan3A_80, %mul3A_83 : i32
        %add3A_85 = arith.addi %mul3A_82, %mul3A_84 : i32
        %mul3A_86 = arith.constant 10240 : i32
        %mul3A_87 = arith.muli %arg0, %mul3A_86 : i32
        %mul3A_88 = arith.constant 640 : i32
        %mul3A_89 = arith.muli %arg1, %mul3A_88 : i32
        %add3A_90 = arith.addi %mul3A_87, %mul3A_89 : i32
        %mul3A_91 = arith.constant 64 : i32
        %mul3A_92 = arith.muli %scan3A_80, %mul3A_91 : i32
        %add3A_93 = arith.addi %add3A_90, %mul3A_92 : i32
        "tpu.region"() ({
          %run_scoped3A_94 = tpu.sem_alloc : memref<!tpu.dma_semaphore, #tpu.memory_space<semaphore_mem>>
          %dma_start3A_95 = arith.constant 0 : i32
          %dma_start3A_96 = tpu.memref_slice %arg6[%add3A_93, %dma_start3A_95] : memref<20480x128xf32, #tpu.memory_space<hbm>> -> memref<64x128xf32, #tpu.memory_space<hbm>>
          %dma_start3A_97 = arith.constant 0 : i32
          %dma_start3A_98 = tpu.memref_slice %arg7[%add3A_85, %dma_start3A_97] : memref<10240x128xf32, #tpu.memory_space<vmem_shared>> -> memref<64x128xf32, #tpu.memory_space<vmem_shared>>
          tpu.enqueue_dma source(%dma_start3A_98 : memref<64x128xf32, #tpu.memory_space<vmem_shared>>) target(%dma_start3A_96 : memref<64x128xf32, #tpu.memory_space<hbm>>) target_semaphore(%run_scoped3A_94 : memref<!tpu.dma_semaphore, #tpu.memory_space<semaphore_mem>>)
          %dma_wait3A = arith.constant 0 : i32
          %dma_wait3A_99 = tpu.memref_slice %arg6[%add3A_93, %dma_wait3A] : memref<20480x128xf32, #tpu.memory_space<hbm>> -> memref<64x128xf32, #tpu.memory_space<hbm>>
          %dma_wait3A_100 = arith.constant 0 : i32
          %dma_wait3A_101 = tpu.memref_slice %arg7[%add3A_85, %dma_wait3A_100] : memref<10240x128xf32, #tpu.memory_space<vmem_shared>> -> memref<64x128xf32, #tpu.memory_space<vmem_shared>>
          tpu.wait_dma2 semaphore(%run_scoped3A_94 : memref<!tpu.dma_semaphore, #tpu.memory_space<semaphore_mem>>) src(%dma_wait3A_101 : memref<64x128xf32, #tpu.memory_space<vmem_shared>>) dst(%dma_wait3A_99 : memref<64x128xf32, #tpu.memory_space<hbm>>)
          tpu.yield
        }) : () -> ()
      }
      %scan3A_79 = arith.constant 10 : i32
      tpu.yield
    }) : () -> ()
    return
  }
}

module attributes {stable_mosaic.version = 14 : i64} {
  func.func @_mm_body(%arg0: i32, %arg1: memref<2048x128xf32, #tpu.memory_space<vmem>>, %arg2: memref<128x128xf32, #tpu.memory_space<vmem>>, %arg3: memref<2048x128xf32, #tpu.memory_space<vmem>>) attributes {dimension_semantics = [#tpu.dimension_semantics<arbitrary>], iteration_bounds = array<i64: 5>, scalar_prefetch = 0 : i64, scratch_operands = 0 : i64, tpu.core_type = #tpu.core_type<tc>, window_params = [{transform_indices = @transform_0, window_bounds = array<i64: 2048, 128>}, {pipeline_mode = #tpu.pipeline_mode<synchronous>, transform_indices = @transform_1, window_bounds = array<i64: 128, 128>}, {transform_indices = @transform_2, window_bounds = array<i64: 2048, 128>}]} {
    %get3A = arith.constant 0 : index
    %get3A_0 = arith.constant 0 : index
    %get3A_1 = vector.load %arg1[%get3A, %get3A_0] : memref<2048x128xf32, #tpu.memory_space<vmem>>, vector<2048x128xf32>
    %get3A_2 = arith.constant 0 : index
    %get3A_3 = arith.constant 0 : index
    %get3A_4 = vector.load %arg2[%get3A_2, %get3A_3] : memref<128x128xf32, #tpu.memory_space<vmem>>, vector<128x128xf32>
    %dot_general3A = arith.constant dense<0.000000e+00> : vector<2048x128xf32>
    %dot_general3A_5 = tpu.matmul %get3A_1, %get3A_4, %dot_general3A {dimension_numbers = #tpu.dot_dimension_numbers<[1], [0], [0], [1], [0, 0, 1, 1], [], []>, transpose_lhs_hint = false} : vector<2048x128xf32>, vector<128x128xf32>, vector<2048x128xf32> -> vector<2048x128xf32>
    %swap3A = arith.constant 0 : index
    %swap3A_6 = arith.constant 0 : index
    %swap3A_7 = vector.load %arg3[%swap3A, %swap3A_6] : memref<2048x128xf32, #tpu.memory_space<vmem>>, vector<2048x128xf32>
    tpu.vector_store %arg3[%swap3A, %swap3A_6], %dot_general3A_5 {strides = array<i32>} : memref<2048x128xf32, #tpu.memory_space<vmem>>, vector<2048x128xf32>,
    return
  }
  func.func @transform_0(%arg0: i32) -> (i32, i32) {
    %c0_i32 = arith.constant 0 : i32
    %c0_i32_0 = arith.constant 0 : i32
    return %arg0, %c0_i32 : i32, i32
  }
  func.func @transform_1(%arg0: i32) -> (i32, i32) {
    %c0_i32 = arith.constant 0 : i32
    %c0_i32_0 = arith.constant 0 : i32
    %c0_i32_1 = arith.constant 0 : i32
    return %c0_i32, %c0_i32_0 : i32, i32
  }
  func.func @transform_2(%arg0: i32) -> (i32, i32) {
    %c0_i32 = arith.constant 0 : i32
    %c0_i32_0 = arith.constant 0 : i32
    return %arg0, %c0_i32 : i32, i32
  }
}

module attributes {stable_mosaic.version = 14 : i64} {
  func.func @_scale_body(%arg0: i32, %arg1: memref<2048x128xf32, #tpu.memory_space<vmem>>, %arg2: memref<2x2048xf32, #tpu.memory_space<vmem>>, %arg3: memref<2048x128xf32, #tpu.memory_space<vmem>>) attributes {dimension_semantics = [#tpu.dimension_semantics<arbitrary>], iteration_bounds = array<i64: 5>, scalar_prefetch = 0 : i64, scratch_operands = 0 : i64, tpu.core_type = #tpu.core_type<tc>, window_params = [{transform_indices = @transform_0, window_bounds = array<i64: 2048, 128>}, {transform_indices = @transform_1, window_bounds = array<i64: 2, 2048>}, {transform_indices = @transform_2, window_bounds = array<i64: 2048, 128>}]} {
    %get3A = arith.constant 0 : index
    %get3A_0 = arith.constant 0 : index
    %get3A_1 = vector.load %arg2[%get3A, %get3A_0] : memref<2x2048xf32, #tpu.memory_space<vmem>>, vector<2x2048xf32>
    %slice3A = vector.extract_strided_slice %get3A_1 {offsets = [0, 0], sizes = [1, 2048], strides = [1, 1]} : vector<2x2048xf32> to vector<1x2048xf32>
    %squeeze3A = vector.shape_cast %slice3A : vector<1x2048xf32> to vector<2048xf32>
    %slice3A_2 = vector.extract_strided_slice %get3A_1 {offsets = [1, 0], sizes = [1, 2048], strides = [1, 1]} : vector<2x2048xf32> to vector<1x2048xf32>
    %squeeze3A_3 = vector.shape_cast %slice3A_2 : vector<1x2048xf32> to vector<2048xf32>
    %add3A = arith.addf %squeeze3A, %squeeze3A_3 : vector<2048xf32>
    %add3A_4 = arith.constant 1.000000e+00 : f32
    %add3A_5 = vector.broadcast %add3A_4 : f32 to vector<2048xf32>
    %add3A_6 = arith.addf %add3A, %add3A_5 : vector<2048xf32>
    %rsqrt3A = math.rsqrt %add3A_6 : vector<2048xf32>
    %get3A_7 = arith.constant 0 : index
    %get3A_8 = arith.constant 0 : index
    %get3A_9 = vector.load %arg1[%get3A_7, %get3A_8] : memref<2048x128xf32, #tpu.memory_space<vmem>>, vector<2048x128xf32>
    %broadcast_in_dim3A = vector.shape_cast %rsqrt3A : vector<2048xf32> to vector<2048x1xf32>
    %mul3A = vector.broadcast %broadcast_in_dim3A : vector<2048x1xf32> to vector<2048x128xf32>
    %mul3A_10 = arith.mulf %get3A_9, %mul3A : vector<2048x128xf32>
    %swap3A = arith.constant 0 : index
    %swap3A_11 = arith.constant 0 : index
    %swap3A_12 = vector.load %arg3[%swap3A, %swap3A_11] : memref<2048x128xf32, #tpu.memory_space<vmem>>, vector<2048x128xf32>
    tpu.vector_store %arg3[%swap3A, %swap3A_11], %mul3A_10 {strides = array<i32>} : memref<2048x128xf32, #tpu.memory_space<vmem>>, vector<2048x128xf32>,
    return
  }
  func.func @transform_0(%arg0: i32) -> (i32, i32) {
    %c0_i32 = arith.constant 0 : i32
    %c0_i32_0 = arith.constant 0 : i32
    return %arg0, %c0_i32 : i32, i32
  }
  func.func @transform_1(%arg0: i32) -> (i32, i32) {
    %c0_i32 = arith.constant 0 : i32
    %c0_i32_0 = arith.constant 0 : i32
    return %c0_i32, %arg0 : i32, i32
  }
  func.func @transform_2(%arg0: i32) -> (i32, i32) {
    %c0_i32 = arith.constant 0 : i32
    %c0_i32_0 = arith.constant 0 : i32
    return %arg0, %c0_i32 : i32, i32
  }
}

module attributes {stable_mosaic.version = 14 : i64} {
  func.func @_fin_body(%arg0: memref<20480x128xf32, #tpu.memory_space<vmem>>, %arg1: memref<10000x128xf32, #tpu.memory_space<vmem>>, %arg2: memref<2x10240xf32, #tpu.memory_space<vmem>>, %arg3: memref<1x128xf32, #tpu.memory_space<vmem>>, %arg4: memref<1x128xf32, #tpu.memory_space<vmem>>, %arg5: memref<1x128xf32, #tpu.memory_space<vmem>>, %arg6: memref<10000x128xf32, #tpu.memory_space<vmem>>) attributes {dimension_semantics = [], scalar_prefetch = 0 : i64, scratch_operands = 0 : i64, tpu.core_type = #tpu.core_type<tc>} {
    %get3A = arith.constant 0 : index
    %get3A_0 = arith.constant 0 : index
    %get3A_1 = vector.load %arg0[%get3A, %get3A_0] : memref<20480x128xf32, #tpu.memory_space<vmem>>, vector<20480x128xf32>
    %slice3A = vector.extract_strided_slice %get3A_1 {offsets = [0, 0], sizes = [10000, 128], strides = [1, 1]} : vector<20480x128xf32> to vector<10000x128xf32>
    %slice3A_2 = vector.extract_strided_slice %get3A_1 {offsets = [10240, 0], sizes = [10000, 128], strides = [1, 1]} : vector<20480x128xf32> to vector<10000x128xf32>
    %add3A = arith.addf %slice3A, %slice3A_2 : vector<10000x128xf32>
    %get3A_3 = arith.constant 0 : index
    %get3A_4 = arith.constant 0 : index
    %get3A_5 = vector.load %arg1[%get3A_3, %get3A_4] : memref<10000x128xf32, #tpu.memory_space<vmem>>, vector<10000x128xf32>
    %add3A_6 = arith.addf %add3A, %get3A_5 : vector<10000x128xf32>
    %get3A_7 = arith.constant 0 : index
    %get3A_8 = arith.constant 0 : index
    %get3A_9 = vector.load %arg2[%get3A_7, %get3A_8] : memref<2x10240xf32, #tpu.memory_space<vmem>>, vector<2x10240xf32>
    %slice3A_10 = vector.extract_strided_slice %get3A_9 {offsets = [0, 0], sizes = [1, 10000], strides = [1, 1]} : vector<2x10240xf32> to vector<1x10000xf32>
    %squeeze3A = vector.shape_cast %slice3A_10 : vector<1x10000xf32> to vector<10000xf32>
    %slice3A_11 = vector.extract_strided_slice %get3A_9 {offsets = [1, 0], sizes = [1, 10000], strides = [1, 1]} : vector<2x10240xf32> to vector<1x10000xf32>
    %squeeze3A_12 = vector.shape_cast %slice3A_11 : vector<1x10000xf32> to vector<10000xf32>
    %add3A_13 = arith.addf %squeeze3A, %squeeze3A_12 : vector<10000xf32>
    %add3A_14 = arith.constant 1.000000e+00 : f32
    %add3A_15 = vector.broadcast %add3A_14 : f32 to vector<10000xf32>
    %add3A_16 = arith.addf %add3A_13, %add3A_15 : vector<10000xf32>
    %rsqrt3A = math.rsqrt %add3A_16 : vector<10000xf32>
    %broadcast_in_dim3A = vector.shape_cast %rsqrt3A : vector<10000xf32> to vector<10000x1xf32>
    %mul3A = vector.broadcast %broadcast_in_dim3A : vector<10000x1xf32> to vector<10000x128xf32>
    %mul3A_17 = arith.mulf %add3A_6, %mul3A : vector<10000x128xf32>
    %get3A_18 = arith.constant 0 : index
    %get3A_19 = arith.constant 0 : index
    %get3A_20 = vector.load %arg3[%get3A_18, %get3A_19] : memref<1x128xf32, #tpu.memory_space<vmem>>, vector<1x128xf32>
    %add3A_21 = vector.broadcast %get3A_20 : vector<1x128xf32> to vector<10000x128xf32>
    %add3A_22 = arith.addf %mul3A_17, %add3A_21 : vector<10000x128xf32>
    %reduce_sum3A = arith.constant dense<0.000000e+00> : vector<128xf32>
    %reduce_sum3A_23 = vector.multi_reduction <add>, %add3A_22, %reduce_sum3A [0] : vector<10000x128xf32> to vector<128xf32>
    %div3A = arith.constant 1.000000e+04 : f32
    %div3A_24 = vector.broadcast %div3A : f32 to vector<128xf32>
    %div3A_25 = arith.divf %reduce_sum3A_23, %div3A_24 : vector<128xf32>
    %broadcast_in_dim3A_26 = vector.shape_cast %div3A_25 : vector<128xf32> to vector<1x128xf32>
    %sub3A = vector.broadcast %broadcast_in_dim3A_26 : vector<1x128xf32> to vector<10000x128xf32>
    %sub3A_27 = arith.subf %add3A_22, %sub3A : vector<10000x128xf32>
    %mul3A_28 = arith.mulf %sub3A_27, %sub3A_27 : vector<10000x128xf32>
    %reduce_sum3A_29 = arith.constant dense<0.000000e+00> : vector<128xf32>
    %reduce_sum3A_30 = vector.multi_reduction <add>, %mul3A_28, %reduce_sum3A_29 [0] : vector<10000x128xf32> to vector<128xf32>
    %div3A_31 = arith.constant 1.000000e+04 : f32
    %div3A_32 = vector.broadcast %div3A_31 : f32 to vector<128xf32>
    %div3A_33 = arith.divf %reduce_sum3A_30, %div3A_32 : vector<128xf32>
    %add3A_34 = arith.constant 9.99999974E-6 : f32
    %add3A_35 = vector.broadcast %add3A_34 : f32 to vector<128xf32>
    %add3A_36 = arith.addf %div3A_33, %add3A_35 : vector<128xf32>
    %rsqrt3A_37 = math.rsqrt %add3A_36 : vector<128xf32>
    %broadcast_in_dim3A_38 = vector.shape_cast %rsqrt3A_37 : vector<128xf32> to vector<1x128xf32>
    %mul3A_39 = vector.broadcast %broadcast_in_dim3A_38 : vector<1x128xf32> to vector<10000x128xf32>
    %mul3A_40 = arith.mulf %sub3A_27, %mul3A_39 : vector<10000x128xf32>
    %get3A_41 = arith.constant 0 : index
    %get3A_42 = arith.constant 0 : index
    %get3A_43 = vector.load %arg4[%get3A_41, %get3A_42] : memref<1x128xf32, #tpu.memory_space<vmem>>, vector<1x128xf32>
    %mul3A_44 = vector.broadcast %get3A_43 : vector<1x128xf32> to vector<10000x128xf32>
    %mul3A_45 = arith.mulf %mul3A_40, %mul3A_44 : vector<10000x128xf32>
    %get3A_46 = arith.constant 0 : index
    %get3A_47 = arith.constant 0 : index
    %get3A_48 = vector.load %arg5[%get3A_46, %get3A_47] : memref<1x128xf32, #tpu.memory_space<vmem>>, vector<1x128xf32>
    %add3A_49 = vector.broadcast %get3A_48 : vector<1x128xf32> to vector<10000x128xf32>
    %add3A_50 = arith.addf %mul3A_45, %add3A_49 : vector<10000x128xf32>
    %max3A = arith.constant 0.000000e+00 : f32
    %max3A_51 = vector.broadcast %max3A : f32 to vector<10000x128xf32>
    %max3A_52 = arith.maximumf %add3A_50, %max3A_51 : vector<10000x128xf32>
    %swap3A = arith.constant 0 : index
    %swap3A_53 = arith.constant 0 : index
    %swap3A_54 = vector.load %arg6[%swap3A, %swap3A_53] : memref<10000x128xf32, #tpu.memory_space<vmem>>, vector<10000x128xf32>
    tpu.vector_store %arg6[%swap3A, %swap3A_53], %max3A_52 {strides = array<i32>} : memref<10000x128xf32, #tpu.memory_space<vmem>>, vector<10000x128xf32>,
    return
  }
}

</mosaic_0001>

<sc_bundles>
// kernel: kernel.10.cloned.1.call-start
scs
__scs_entry_jumppad:
0x0: {  	(pc) =	sbr.rel $0x88, $3  }
0x1: {  	(tag) =	ssettag $0x0;
	lr =	simm.s32 $0x1  }
0x2: {  	[smem:$0x3F9B] =	sst lr;
	_ =	strace $0xD0000000  }
0x3: {  	_ = 	snop  }
0x4: {  	_ = 	snop  }
0x5: {  	_ = 	snop  }
0x6: {  	_ = 	snop  }
0x7: {  	_ = 	snop  }
__scs_overlays_trampoline_lowered:
0x8: {  	[smem:$0x3FAA] =	sst s0  }
0x9: {  	[smem:$0x3FAB] =	sst s1  }
0xa: {  	[smem:$0x3FAC] =	sst s2  }
0xb: {  	[smem:$0x3FAD] =	sst s3  }
0xc: {  	[smem:$0x3FAE] =	sst s4  }
0xd: {  	[smem:$0x3FAF] =	sst s5  }
0xe: {  	[smem:$0x3FB0] =	sst s6  }
0xf: {  	[smem:$0x3FB1] =	sst s7  }
0x10: {  	[smem:$0x3FB2] =	sst s8  }
0x11: {  	[smem:$0x3FB3] =	sst s9;
	s0 =	simm.s32 @!p0 $0x0  }
0x12: {  	s1 =	sld [smem:$0x3F99];
	s0 =	simm.s32 @p0 $0x1  }
0x13: {  	[smem:$0x3FB4] =	sst s0;
	s0 =	simm.s32 @!p1 $0x0  }
0x14: {  	s2 =	sld [smem:$0x3F98];
	s0 =	simm.s32 @p1 $0x1  }
0x15: {  	[smem:$0x3FB5] =	sst s0;
	s0 =	simm.s32 @!p2 $0x0  }
0x16: {  	s3 =	sld [smem:$0x3FDB];
	s0 =	simm.s32 @p2 $0x1  }
0x17: {  	s4 =	simm.s32 $0x1BF5;
	[smem:$0x3FB7] =	sst s0  }
0x18: {  	s0 =	sld [smem:$0x3F9A];
	_ =	swait.ge [sflag:s4], $0x0  }
0x19: {  	s7 =	sld [smem:$0x3F9B]  }
0x1a: {  	s8 =	sadd.s32 $0xFFFFE003, lr  }
0x1b: {  	s9 =	sadd.s32 $0xFFFFFEF7, lr;
	s5 =	simm.s32 $0xFFFFFFFF;
	p2 =	slt.u32 s8, $0xFFFFF086  }
0x1c: {  	p1 =	slt.u32 s9, $0xF7A;
	s5 =	simm.s32 @!p2 $0x0  }
0x1d: {  	s5 =	simm.s32 @p1 $0x1;
	p0 =	seq.s32 s7, s2  }
0x1e: {  	s7 =	smul.u32 @!p0 $0xF7A, s2;
	p2 =	seq.s32 @!p0 s5, $0x0  }
0x1f: {  	s9 =	smul.u32 $0xF7A, s1;
	s8 =	simm.s32 @!p0 $0x1BF5;
	p2 =	por !p2, p0  }
0x20: {  	[sflag:s8] =	ssyncset.s32 @!p0 $0xFFFFF086;
	s6 =	sadd.s32 @!p0 s3, s7;
	s7 =	simm.s32 @!p0 $0x108  }
0x21: {  	s3 =	sadd.s32 s3, s9;
	s6 =	sadd.s32 @!p0 $0x88, s6;
	s7 =	simm.s32 @p2 $0x1082  }
0x22: {  	[simem:s7], [sflag:s8] =	dma.local @!p0 [hbm:s6], $0xF7A  }
0x23: {  	s9 =	sor.u32 $0xD0000000, s2;
	s6 =	simm.s32 $0x108;
	_ =	swait.ge @!p0 [sflag:s8], $0x0  }
0x24: {  	s3 =	sadd.s32 $0x88, s3;
	s6 =	simm.s32 @!p1 $0x1082;
	[sflag:s4] =	ssyncset.s32 $0xFFFFF086  }
0x25: {  	[simem:s6], [sflag:s4] =	dma.local [hbm:s3], $0xF7A  }
0x26: {  	[smem:$0x3F9B] =	sst s1;
	(tag) =	ssettag s2;
	_ =	strace s9  }
0x27: {  	s1 =	sld [smem:$0x3FAB]  }
0x28: {  	s2 =	sld [smem:$0x3FAC]  }
0x29: {  	s4 =	sld [smem:$0x3FAE]  }
0x2a: {  	p0 =	seq.s32 s5, $0x0;
	s5 =	sld [smem:$0x3FAF]  }
0x2b: {  	s6 =	sld [smem:$0x3FB0]  }
0x2c: {  	s7 =	sld [smem:$0x3FB1]  }
0x2d: {  	s3 =	simm.s32 $0x108;
	s8 =	sld [smem:$0x3FB2]  }
0x2e: {  	s3 =	simm.s32 @!p0 $0x1082;
	s9 =	sld [smem:$0x3FB3]  }
0x2f: {  	lr =	sadd.s32 s0, s3;
	s0 =	sld [smem:$0x3FAA]  }
0x30: {  	s3 =	sld [smem:$0x3FAD]  }
0x31: {  	[smem:$0x3FB6] =	sst s10  }
0x32: {  	s10 =	sld [smem:$0x3FB4];
	_ =	sdelay $0x3  }
0x33: {  	p0 =	seq.s32 s10, $0x1;
	s10 =	sld [smem:$0x3FB6];
	_ =	sdelay $0x3  }
0x34: {  	[smem:$0x3FB6] =	sst s10  }
0x35: {  	s10 =	sld [smem:$0x3FB5];
	_ =	sdelay $0x3  }
0x36: {  	p1 =	seq.s32 s10, $0x1;
	s10 =	sld [smem:$0x3FB6];
	_ =	sdelay $0x3  }
0x37: {  	[smem:$0x3FB6] =	sst s10  }
0x38: {  	s10 =	sld [smem:$0x3FB7]  }
0x39: {  	_ = 	snop;
	(pc) =	sbr.ind lr, $3  }
0x3a: {  	_ = 	snop  }
0x3b: {  	_ = 	snop  }
0x3c: {  	p2 =	seq.s32 s10, $0x1;
	s10 =	sld [smem:$0x3FB6]  }
0x3d: {  	_ =	shalt  }
0x3e: {  	_ =	shalt  }
0x3f: {  	_ =	shalt  }
0x40: {  	_ =	shalt  }
0x41: {  	_ =	shalt  }
0x42: {  	_ =	shalt  }
0x43: {  	_ =	shalt  }
0x44: {  	_ =	shalt  }
0x45: {  	_ =	shalt  }
0x46: {  	_ =	shalt  }
0x47: {  	_ =	shalt  }
0x48: {  	_ =	shalt  }
0x49: {  	_ =	shalt  }
0x4a: {  	_ =	shalt  }
0x4b: {  	_ =	shalt  }
0x4c: {  	_ =	shalt  }
0x4d: {  	_ =	shalt  }
0x4e: {  	_ =	shalt  }
0x4f: {  	_ =	shalt  }
0x50: {  	_ =	shalt  }
0x51: {  	_ =	shalt  }
0x52: {  	_ =	shalt  }
0x53: {  	_ =	shalt  }
0x54: {  	_ =	shalt  }
0x55: {  	_ =	shalt  }
0x56: {  	_ =	shalt  }
0x57: {  	_ =	shalt  }
0x58: {  	_ =	shalt  }
0x59: {  	_ =	shalt  }
0x5a: {  	_ =	shalt  }
0x5b: {  	_ =	shalt  }
0x5c: {  	_ =	shalt  }
0x5d: {  	_ =	shalt  }
0x5e: {  	_ =	shalt  }
0x5f: {  	_ =	shalt  }
0x60: {  	_ =	shalt  }
0x61: {  	_ =	shalt  }
0x62: {  	_ =	shalt  }
0x63: {  	_ =	shalt  }
0x64: {  	_ =	shalt  }
0x65: {  	_ =	shalt  }
0x66: {  	_ =	shalt  }
0x67: {  	_ =	shalt  }
0x68: {  	_ =	shalt  }
0x69: {  	_ =	shalt  }
0x6a: {  	_ =	shalt  }
0x6b: {  	_ =	shalt  }
0x6c: {  	_ =	shalt  }
0x6d: {  	_ =	shalt  }
0x6e: {  	_ =	shalt  }
0x6f: {  	_ =	shalt  }
0x70: {  	_ =	shalt  }
0x71: {  	_ =	shalt  }
0x72: {  	_ =	shalt  }
0x73: {  	_ =	shalt  }
0x74: {  	_ =	shalt  }
0x75: {  	_ =	shalt  }
0x76: {  	_ =	shalt  }
0x77: {  	_ =	shalt  }
0x78: {  	_ =	shalt  }
0x79: {  	_ =	shalt  }
0x7a: {  	_ =	shalt  }
0x7b: {  	_ =	shalt  }
0x7c: {  	_ =	shalt  }
0x7d: {  	_ =	shalt  }
0x7e: {  	_ =	shalt  }
0x7f: {  	_ =	shalt  }
0x80: {  	_ =	shalt  }
0x81: {  	_ =	shalt  }
0x82: {  	_ =	shalt  }
0x83: {  	_ =	shalt  }
0x84: {  	_ =	shalt  }
0x85: {  	_ =	shalt  }
0x86: {  	_ =	shalt  }
0x87: {  	_ =	shalt  }
.Lfunc_end0:
.L_simem_size_0:
called_computation.1_lowered:
.L_overlay_start_0:
0x88: {  	s2 =	sld [smem:$0x3FD9]  }
0x89: {  	s3 =	sld [smem:$0x3FFE];
	_ =	sdelay $0x1  }
0x8a: {  	s1 =	srdreg.scid  }
0x8b: {  	s0 =	sand.u32 $0x1, s1  }
0x8c: {  	s17 =	sshll.u32 s0, $0xA;
	s2 =	sadd.s32 s3, s2  }
0x8d: {  	s2 =	sadd.s32 s2, s17  }
0x8e: {  	[smem:$0x3FC2] =	sst s2  }
0x8f: {  	_ = 	snop  }
0x90: {  	s2 =	sld [smem:$0x3FD0];
	(tm) =	ssettm $0x1  }
0x91: {  	s18 =	sld [smem:$0x3FFB];
	_ =	sdelay $0x3  }
0x92: {  	_ =	strace s18  }
0x93: {  	s3 =	sld [smem:$0x3FFC];
	_ =	sdelay $0x3  }
0x94: {  	_ =	strace s3  }
0x95: {  	s3 =	sld [smem:$0x3FFD];
	_ =	sdelay $0x3  }
0x96: {  	_ =	strace s3  }
0x97: {  	_ =	strace $0x8FFFFFFF  }
0x98: {  	s19 =	sld [smem:$0x3FDB];
	_ =	sdelay $0x1  }
0x99: {  	s4 =	simm.s32 $_scs_section_size  }
0x9a: {  	s5 =	simm.s32 $_size__tile_overlayer_lowered;
	s6 =	simm.s32 $_tile_overlayer_lowered  }
0x9b: {  	s22 =	simm.s32 $0x1BFF;
	s21 =	sshll.u32 s6, $0x1;
	s3 =	sadd.s32 s4, s19  }
0x9c: {  	s7 =	simm.s32 $0x0;
	s20 =	sshll.u32 s5, $0x1;
	s5 =	sadd.s32 s21, s3  }
0x9d: {  	[timem:s7], [sflag:s22] =	dma.local [hbm:s5], s20  }
0x9e: {  	_ =	swait.ge [sflag:s22], s20  }
0x9f: {  	s4 =	ssub.s32 $0x0, s20;
	[sflag:s22] =	ssyncset.done $0x0  }
0xa0: {  	[sflag:s22] =	ssyncadd.s32 s4;
	_ =	sdelay $0x1  }
0xa1: {  	s23 =	simm.s32 $0x1B8B  }
0xa2: {  	_ =	swait.ge [sflag:s23], $0x1  }
0xa3: {  	[sflag:s23] =	ssyncset.done $0x0  }
0xa4: {  	s25 =	simm.s32 $0x1B8E;
	s24 =	sld [smem:$0x3FFE];
	[sflag:s23] =	ssyncadd.s32 $0xFFFFFFFF  }
0xa5: {  	s26 =	simm.s32 $execute0_lowered;
	[smem:$0x3FD2] =	sst s25  }
0xa6: {  	s5 =	sshll.u32 s26, $0x1;
	_ =	strace $0x80000049;
	[dreg:$0x1] =	wrdreg $0xFFFFFFFF  }
0xa7: {  	s28 =	simm.s32 $_size_execute0_lowered;
	s3 =	sadd.s32 s3, s5;
	[dreg:$0x0] =	wrdreg $0x0  }
0xa8: {  	s5 =	sshll.u32 s28, $0x1;
	[dreg:$0x2] =	wrdreg s3  }
0xa9: {  	[dreg:$0x3] =	wrdreg s5  }
0xaa: {  	[dreg:$0x4] =	wrdreg $0xC0  }
0xab: {  	_ =	task [dreg:s7], $0x5FFFF  }
0xac: {  	[dreg:$0x1] =	wrdreg $0xFFFFFFFF  }
0xad: {  	[dreg:$0x0] =	wrdreg $0x60  }
0xae: {  	[dreg:$0x2] =	wrdreg s2  }
0xaf: {  	[dreg:$0x3] =	wrdreg s24  }
0xb0: {  	[dreg:$0x4] =	wrdreg $0x0  }
0xb1: {  	[dreg:$0x5] =	wrdreg $0x9  }
0xb2: {  	_ =	task.clear_ibuf [dreg:s7], $0x6FFFF;
	_ =	strace $0x90000049  }
0xb3: {  	s29 =	simm.s32 $0x9;
	_ =	strace $0x8000004B  }
0xb4: {  	_ =	swait.ge [sflag:s29], $0x1  }
0xb5: {  	[sflag:s29] =	ssyncadd.s32 $0xFFFFFFFF  }
0xb6: {  	_ =	strace $0x9000004B  }
0xb7: {  	_ =	sfence  }
0xb8: {  	s30 =	sld [smem:$0x0];
	_ =	sdelay $0x2  }
0xb9: {  	s31 =	sshll.u32 s1, $0xD;
	s1 =	sshrl.u32 s1, $0x2  }
0xba: {  	s3 =	sand.u32 $0x4000, s31;
	s1 =	sadd.s32 s1, s30  }
0xbb: {  	s0 =	sor.u32 s3, s0;
	s1 =	sshll.u32 s1, $0x11  }
0xbc: {  	s0 =	sor.u32 s1, s0  }
0xbd: {  	s0 =	sadd.s32 $0x8F2B, s0  }
0xbe: {  	[sflag:s0] =	ssyncadd.remote.s32 $0x1  }
0xbf: {  	_ =	sfence.sel $0xFFFF  }
0xc0: {  	[dreg:$0x0] =	wrdreg $0xFFFFFFFF;
	(pc) =	sbr.abs _section_cstart, $3  }
0xc1: {  	[dreg:$0x1] =	wrdreg $0xFFFFFFFF  }
0xc2: {  	_ =	task.clear_ibuf [dreg:s7], $0x2FFFF;
	_ =	strace $0x9FFFFFFF  }
0xc3: {  	(tm) =	ssettm $0x7FFFFFFF  }
tec
execute0_lowered:
.L_overlay_start_1:
0x0: {  	(tag) =	ssettag $0x1  }
0x1: {  	s1 =	rddreg [dreg:$0x0]  }
0x2: {  	s2 =	srdreg.scid;
	s12 =	stileid.u32  }
0x3: {  	s0 =	rddreg [dreg:$0x1];
	s2 =	sand.u32 $0x1, s2;
	s4 =	smul.u32 $0x280, s12  }
0x4: {  	s3 =	rddreg [dreg:$0x2];
	s5 =	simm.s32 $0x0;
	s23 =	smul.u32 $0x2800, s2  }
0x5: {  	[smem:$0x7FF] =	sst s5;
	s6 =	sshll.u32 s2, $0x4;
	s2 =	ssub.s32 $0x2, s2  }
0x6: {  	s8 =	sadd.s32 $0x2600, s0;
	s24 =	sshrl.u32 s2, $0x1;
	s4 =	sadd.s32 s23, s4  }
0x7: {  	s9 =	sadd.s32 $0xC400, s0;
	s2 =	ssub.s32 s2, s24;
	s4 =	sshll.u32 s4, $0x4  }
0x8: {  	s5 =	sadd.s32 $0x16200, s0;
	s2 =	smax.u32 s2, $0x1;
	s0 =	sadd.s32 s4, s0  }
0x9: {  	_ =	strace $0x8000004A;
	[dreg:$0xb] =	wrdreg s2;
	s14 =	sadd.s32 $0x16600, s0  }
0xa: {  	s7 =	smul.u32 $0x50000, s12;
	s16 =	sadd.s32 $0x16A00, s0;
	[dreg:$0xa] =	wrdreg s14  }
0xb: {  	s26 =	sshll.u32 s12, $0x6;
	s17 =	sadd.s32 $0x16E00, s0;
	[dreg:$0xd] =	wrdreg s16  }
0xc: {  	s10 =	sor.u32 s12, s6;
	s18 =	sadd.s32 $0x17200, s0;
	[dreg:$0xe] =	wrdreg s17  }
0xd: {  	s25 =	sshrl.u32 s7, $0x2;
	s19 =	sadd.s32 $0x17600, s0;
	[dreg:$0xf] =	wrdreg s18  }
0xe: {  	s7 =	sor.u32 $0x1C05, s26;
	s20 =	sadd.s32 $0x17A00, s0;
	[dreg:$0x10] =	wrdreg s19  }
0xf: {  	s6 =	smul.u32 $0x4E, s10;
	s21 =	sadd.s32 $0x17E00, s0;
	[dreg:$0x11] =	wrdreg s20  }
0x10: {  	s11 =	smin.u32 s10, $0x4;
	s22 =	sadd.s32 $0x18200, s0;
	[dreg:$0x12] =	wrdreg s21  }
0x11: {  	s6 =	sadd.s32 s11, s6;
	s23 =	sadd.s32 $0x18600, s0;
	[dreg:$0x13] =	wrdreg s22  }
0x12: {  	s11 =	sshll.u32 s6, $0x4;
	s0 =	sadd.s32 $0x18A00, s0;
	[dreg:$0x14] =	wrdreg s23  }
0x13: {  	p0 =	sgt.u32 s10, $0x3;
	s31 =	sadd.s32 s8, s11;
	[dreg:$0x15] =	wrdreg s0  }
0x14: {  	s6 =	sadd.s32 s25, s3;
	s12 =	sadd.s32 s9, s11;
	[dreg:$0x6] =	wrdreg s31  }
0x15: {  	s28 =	sadd.s32 $0x4E0, s11;
	s15 =	sadd.s32 $0x2000, s6;
	[dreg:$0x7] =	wrdreg s12  }
0x16: {  	s13 =	sadd.s32 $0x280, s11;
	s24 =	sadd.s32 $0x4000, s6;
	[dreg:$0xc] =	wrdreg s15  }
0x17: {  	s25 =	sadd.s32 $0x6000, s6;
	s26 =	sadd.s32 $0x8000, s6;
	[dreg:$0x16] =	wrdreg s24  }
0x18: {  	s11 =	simm.s32 $0x80;
	s14 =	simm.s32 $0x1A900;
	[dreg:$0x17] =	wrdreg s25  }
0x19: {  	s16 =	simm.s32 $0x3;
	s29 =	sadd.s32 s8, s28;
	[dreg:$0x18] =	wrdreg s26  }
0x1a: {  	s17 =	simm.s32 $0x2;
	s30 =	sadd.s32 s9, s28;
	[dreg:$0x4] =	wrdreg s29  }
0x1b: {  	s18 =	simm.s32 $0x4;
	s8 =	sadd.s32 s8, s13;
	[dreg:$0x5] =	wrdreg s30  }
0x1c: {  	s19 =	simm.s32 $0x0;
	s4 =	sadd.s32 s9, s13;
	[dreg:$0x8] =	wrdreg s8  }
0x1d: {  	s28 =	sadd.s32 $0xA000, s6;
	s31 =	sadd.s32 $0x10000, s6;
	[dreg:$0x9] =	wrdreg s4  }
0x1e: {  	s9 =	simm.s32 $0x15500;
	s12 =	simm.s32 $0x16900;
	[dreg:$0x19] =	wrdreg s28  }
0x1f: {  	s13 =	simm.s32 $0x15580;
	s29 =	sadd.s32 $0xC000, s6;
	[dreg:$0x1c] =	wrdreg s31  }
0x20: {  	s15 =	simm.s32 $0x1;
	s30 =	sadd.s32 $0xE000, s6;
	[dreg:$0x1a] =	wrdreg s29  }
0x21: {  	s4 =	sadd.s32 $0x12000, s6;
	s8 =	simm.s32 $0x5;
	[dreg:$0x1b] =	wrdreg s30  }
.LBB2_1:
0x22: {  	s20 =	sshrl.u32 s6, $0x3  }
0x23: {  	[spmem:s20], [sflag:s7] =	dma.local [hbm:s5], $0x400  }
0x24: {  	_ =	swait.ge [sflag:s8], $0x400  }
0x25: {  	[sflag:s8] =	ssyncset.done $0x0;
	s0 =	rddreg [dreg:$0xc]  }
0x26: {  	[sflag:s8] =	ssyncadd.s32 $0xFFFFFC00;
	s21 =	sshrl.u32 s0, $0x3  }
0x27: {  	[spmem:s21], [sflag:s7] =	dma.local [hbm:s5], $0x400  }
0x28: {  	_ =	swait.ge [sflag:s8], $0x400  }
0x29: {  	[sflag:s8] =	ssyncset.done $0x0;
	s23 =	rddreg [dreg:$0x16]  }
0x2a: {  	[sflag:s8] =	ssyncadd.s32 $0xFFFFFC00;
	s22 =	sshrl.u32 s23, $0x3  }
0x2b: {  	[spmem:s22], [sflag:s7] =	dma.local [hbm:s5], $0x400  }
0x2c: {  	_ =	swait.ge [sflag:s8], $0x400  }
0x2d: {  	[sflag:s8] =	ssyncset.done $0x0;
	s24 =	rddreg [dreg:$0x17]  }
0x2e: {  	[sflag:s8] =	ssyncadd.s32 $0xFFFFFC00;
	s23 =	sshrl.u32 s24, $0x3  }
0x2f: {  	[spmem:s23], [sflag:s7] =	dma.local [hbm:s5], $0x400  }
0x30: {  	_ =	swait.ge [sflag:s8], $0x400  }
0x31: {  	[sflag:s8] =	ssyncset.done $0x0;
	s25 =	rddreg [dreg:$0x18]  }
0x32: {  	[sflag:s8] =	ssyncadd.s32 $0xFFFFFC00;
	s24 =	sshrl.u32 s25, $0x3  }
0x33: {  	[spmem:s24], [sflag:s7] =	dma.local [hbm:s5], $0x400  }
0x34: {  	_ =	swait.ge [sflag:s8], $0x400  }
0x35: {  	[sflag:s8] =	ssyncset.done $0x0;
	s26 =	rddreg [dreg:$0x19]  }
0x36: {  	[sflag:s8] =	ssyncadd.s32 $0xFFFFFC00;
	s25 =	sshrl.u32 s26, $0x3  }
0x37: {  	[spmem:s25], [sflag:s7] =	dma.local [hbm:s5], $0x400  }
0x38: {  	_ =	swait.ge [sflag:s8], $0x400  }
0x39: {  	[sflag:s8] =	ssyncset.done $0x0;
	s2 =	rddreg [dreg:$0x1a]  }
0x3a: {  	[sflag:s8] =	ssyncadd.s32 $0xFFFFFC00;
	s26 =	sshrl.u32 s2, $0x3  }
0x3b: {  	[spmem:s26], [sflag:s7] =	dma.local [hbm:s5], $0x400  }
0x3c: {  	_ =	swait.ge [sflag:s8], $0x400  }
0x3d: {  	[sflag:s8] =	ssyncset.done $0x0;
	s10 =	rddreg [dreg:$0x1b]  }
0x3e: {  	[sflag:s8] =	ssyncadd.s32 $0xFFFFFC00;
	s28 =	sshrl.u32 s10, $0x3  }
0x3f: {  	[spmem:s28], [sflag:s7] =	dma.local [hbm:s5], $0x400  }
0x40: {  	_ =	swait.ge [sflag:s8], $0x400  }
0x41: {  	[sflag:s8] =	ssyncset.done $0x0;
	s2 =	rddreg [dreg:$0x1c]  }
0x42: {  	[sflag:s8] =	ssyncadd.s32 $0xFFFFFC00;
	s29 =	sshrl.u32 s2, $0x3  }
0x43: {  	[spmem:s29], [sflag:s7] =	dma.local [hbm:s5], $0x400  }
0x44: {  	_ =	swait.ge [sflag:s8], $0x400  }
0x45: {  	[sflag:s8] =	ssyncset.done $0x0  }
0x46: {  	s30 =	sshrl.u32 s4, $0x3;
	[sflag:s8] =	ssyncadd.s32 $0xFFFFFC00  }
0x47: {  	[spmem:s30], [sflag:s7] =	dma.local [hbm:s5], $0x400  }
0x48: {  	_ =	swait.ge [sflag:s8], $0x400  }
0x49: {  	[sflag:s8] =	ssyncset.done $0x0  }
0x4a: {  	[sflag:s8] =	ssyncadd.s32 $0xFFFFFC00  }
0x4b: {  	[bflag:$0x0] =	sbarrier.arrive $0xFFFF  }
0x4c: {  	s31 =	simm.s32 @!p0 $0x14080;
	s10 =	simm.s32 @!p0 $0x0;
	s0 =	rddreg [dreg:$0x4]  }
0x4d: {  	[tilespmem:s31], [sflag:$0x5] =	stream.linear.gather @!p0 [hbm4b:s0+s10], $0x80, $0x38;
	[tilespmem:$0x1E900] =	vst v63  }
0x4e: {  	s31 =	simm.s32 @!p0 $0x5  }
0x4f: {  	_ =	swait.ge @!p0 [sflag:s31], $0x80  }
0x50: {  	[sflag:s31] =	ssyncset.done @!p0 $0x0  }
0x51: {  	s0 =	simm.s32 @!p0 $0x14000;
	s2 =	rddreg [dreg:$0x5];
	[sflag:s31] =	ssyncadd.s32 @!p0 $0xFFFFFF80  }
0x52: {  	[tilespmem:s0], [sflag:$0x5] =	stream.linear.gather @!p0 [hbm4b:s2+s10], $0x80, $0x38;
	[tilespmem:$0x1E900] =	vst v63  }
0x53: {  	_ =	swait.ge @!p0 [sflag:s31], $0x80  }
0x54: {  	[sflag:s31] =	ssyncset.done @!p0 $0x0  }
0x55: {  	s0 =	simm.s32 $0x0;
	s10 =	rddreg [dreg:$0x6];
	[sflag:s31] =	ssyncadd.s32 @!p0 $0xFFFFFF80  }
0x56: {  	[tilespmem:s9], [sflag:$0x5] =	stream.linear.gather [hbm4b:s10+s0], $0x1400, $0x38;
	[tilespmem:$0x1E900] =	vst v63  }
0x57: {  	_ =	swait.ge [sflag:s8], $0x1400  }
0x58: {  	[sflag:s8] =	ssyncset.done $0x0  }
0x59: {  	s10 =	simm.s32 $0x14100;
	s2 =	rddreg [dreg:$0x7];
	[sflag:s8] =	ssyncadd.s32 $0xFFFFEC00  }
0x5a: {  	[tilespmem:s10], [sflag:$0x5] =	stream.linear.gather [hbm4b:s2+s0], $0x1400, $0x38;
	[tilespmem:$0x1E900] =	vst v63  }
0x5b: {  	_ =	swait.ge [sflag:s8], $0x1400  }
0x5c: {  	[sflag:s8] =	ssyncset.done $0x0  }
0x5d: {  	[sflag:s8] =	ssyncadd.s32 $0xFFFFEC00  }
0x5e: {  	[tilespmem:s12], [sflag:$0x1] =	stream.indirect.gather [hbm4b:s1+s11], $0x80, s9, s11, $0xb8;
	[tilespmem:$0x1E900] =	vst v63  }
0x5f: {  	_ = 	snop  }
0x60: {  	[tilespmem:s14], [sflag:$0x2] =	stream.indirect.gather [hbm4b:s1+s11], $0x80, s13, s11, $0xb8;
	[tilespmem:$0x1E900] =	vst v63  }
0x61: {  	_ =	swait.ge [sflag:s15], $0x4000  }
0x62: {  	[sflag:s15] =	ssyncset.done $0x0  }
0x63: {  	s10 =	simm.s32 $0x14100;
	[sflag:s15] =	ssyncadd.s32 $0xFFFFC000  }
0x64: {  	[spmem:s3] =	stream.indirect.scatter.add.f32 [tilespmem:s12], [sflag:$0x3], $0x80, s10, s11, $0xb8;
	[tilespmem:$0x1E900] =	vst v63  }
0x65: {  	_ =	swait.ge [sflag:s16], $0x4000  }
0x66: {  	[sflag:s16] =	ssyncset.done $0x0  }
0x67: {  	s2 =	simm.s32 $0x15600;
	[sflag:s16] =	ssyncadd.s32 $0xFFFFC000  }
0x68: {  	[tilespmem:s12], [sflag:$0x1] =	stream.indirect.gather [hbm4b:s1+s11], $0x80, s2, s11, $0xb8;
	[tilespmem:$0x1E900] =	vst v63  }
0x69: {  	_ =	swait.ge [sflag:s17], $0x4000  }
0x6a: {  	[sflag:s17] =	ssyncset.done $0x0  }
0x6b: {  	s10 =	simm.s32 $0x14180;
	[sflag:s17] =	ssyncadd.s32 $0xFFFFC000  }
0x6c: {  	[spmem:s3] =	stream.indirect.scatter.add.f32 [tilespmem:s14], [sflag:$0x4], $0x80, s10, s11, $0xb8;
	[tilespmem:$0x1E900] =	vst v63  }
0x6d: {  	_ =	swait.ge [sflag:s18], $0x4000  }
0x6e: {  	[sflag:s18] =	ssyncset.done $0x0  }
0x6f: {  	s31 =	simm.s32 $0x400;
	s10 =	simm.s32 $0x15680;
	[sflag:s18] =	ssyncadd.s32 $0xFFFFC000  }
.LBB2_2:
0x70: {  	[tilespmem:s14], [sflag:$0x2] =	stream.indirect.gather [hbm4b:s1+s11], $0x80, s10, s11, $0xb8;
	[tilespmem:$0x1E900] =	vst v63  }
0x71: {  	s0 =	smov.u32 s31  }
0x72: {  	p1 =	sne.s32 s31, $0x4800;
	s31 =	sadd.s32 $0x400, s31;
	_ =	swait.ge [sflag:s15], $0x4000  }
0x73: {  	s0 =	sshra.s32 s0, $0x2;
	[sflag:s15] =	ssyncset.done $0x0  }
0x74: {  	s10 =	sadd.s32 $0x14100, s0;
	[sflag:s15] =	ssyncadd.s32 $0xFFFFC000  }
0x75: {  	[spmem:s3] =	stream.indirect.scatter.add.f32 [tilespmem:s12], [sflag:$0x3], $0x80, s10, s11, $0xb8;
	[tilespmem:$0x1E900] =	vst v63  }
0x76: {  	_ =	swait.ge [sflag:s16], $0x4000  }
0x77: {  	[sflag:s16] =	ssyncset.done $0x0  }
0x78: {  	s10 =	sadd.s32 $0x15600, s0;
	[sflag:s16] =	ssyncadd.s32 $0xFFFFC000  }
0x79: {  	[tilespmem:s12], [sflag:$0x1] =	stream.indirect.gather [hbm4b:s1+s11], $0x80, s10, s11, $0xb8;
	[tilespmem:$0x1E900] =	vst v63  }
0x7a: {  	_ =	swait.ge [sflag:s17], $0x4000  }
0x7b: {  	[sflag:s17] =	ssyncset.done $0x0  }
.Ltmp0:
0x7c: {  	s10 =	sadd.s32 $0x14180, s0;
	[sflag:s17] =	ssyncadd.s32 $0xFFFFC000;
	(pc) =	sbr.rel @p1 .LBB2_2-.Ltmp0, $4  }
0x7d: {  	[spmem:s3] =	stream.indirect.scatter.add.f32 [tilespmem:s14], [sflag:$0x4], $0x80, s10, s11, $0xb8;
	[tilespmem:$0x1E900] =	vst v63  }
0x7e: {  	_ =	swait.ge [sflag:s18], $0x4000  }
0x7f: {  	[sflag:s18] =	ssyncset.done $0x0  }
0x80: {  	s10 =	sadd.s32 $0x15680, s0;
	[sflag:s18] =	ssyncadd.s32 $0xFFFFC000  }
0x81: {  	[tilespmem:s14], [sflag:$0x2] =	stream.indirect.gather [hbm4b:s1+s11], $0x80, s10, s11, $0xb8;
	[tilespmem:$0x1E900] =	vst v63  }
0x82: {  	_ =	swait.ge [sflag:s15], $0x4000  }
0x83: {  	[sflag:s15] =	ssyncset.done $0x0  }
0x84: {  	s0 =	simm.s32 $0x15400;
	[sflag:s15] =	ssyncadd.s32 $0xFFFFC000  }
0x85: {  	[spmem:s3] =	stream.indirect.scatter.add.f32 [tilespmem:s12], [sflag:$0x3], $0x80, s0, s11, $0xb8;
	[tilespmem:$0x1E900] =	vst v63  }
0x86: {  	_ =	swait.ge [sflag:s16], $0x4000  }
0x87: {  	[sflag:s16] =	ssyncset.done $0x0  }
0x88: {  	[sflag:s16] =	ssyncadd.s32 $0xFFFFC000  }
0x89: {  	_ =	swait.ge [sflag:s17], $0x4000  }
0x8a: {  	[sflag:s17] =	ssyncset.done $0x0  }
0x8b: {  	s2 =	simm.s32 $0x15480;
	[sflag:s17] =	ssyncadd.s32 $0xFFFFC000  }
0x8c: {  	[spmem:s3] =	stream.indirect.scatter.add.f32 [tilespmem:s14], [sflag:$0x4], $0x80, s2, s11, $0xb8;
	[tilespmem:$0x1E900] =	vst v63  }
0x8d: {  	_ =	swait.ge [sflag:s18], $0x4000  }
0x8e: {  	[sflag:s18] =	ssyncset.done $0x0  }
0x8f: {  	s0 =	simm.s32 $0x0;
	s2 =	rddreg [dreg:$0x8];
	[sflag:s18] =	ssyncadd.s32 $0xFFFFC000  }
0x90: {  	[tilespmem:s9], [sflag:$0x5] =	stream.linear.gather [hbm4b:s2+s0], $0x1300, $0x38;
	[tilespmem:$0x1E900] =	vst v63  }
0x91: {  	_ =	swait.ge [sflag:s8], $0x1300  }
0x92: {  	[sflag:s8] =	ssyncset.done $0x0  }
0x93: {  	s10 =	simm.s32 $0x14100;
	s2 =	rddreg [dreg:$0x9];
	[sflag:s8] =	ssyncadd.s32 $0xFFFFED00  }
0x94: {  	[tilespmem:s10], [sflag:$0x5] =	stream.linear.gather [hbm4b:s2+s0], $0x1300, $0x38;
	[tilespmem:$0x1E900] =	vst v63  }
0x95: {  	_ =	swait.ge [sflag:s8], $0x1300  }
0x96: {  	[sflag:s8] =	ssyncset.done $0x0  }
0x97: {  	[sflag:s8] =	ssyncadd.s32 $0xFFFFED00  }
0x98: {  	[tilespmem:s12], [sflag:$0x1] =	stream.indirect.gather [hbm4b:s1+s11], $0x80, s9, s11, $0xb8;
	[tilespmem:$0x1E900] =	vst v63  }
0x99: {  	_ = 	snop  }
0x9a: {  	[tilespmem:s14], [sflag:$0x2] =	stream.indirect.gather [hbm4b:s1+s11], $0x80, s13, s11, $0xb8;
	[tilespmem:$0x1E900] =	vst v63  }
0x9b: {  	_ =	swait.ge [sflag:s15], $0x4000  }
0x9c: {  	[sflag:s15] =	ssyncset.done $0x0  }
0x9d: {  	s10 =	simm.s32 $0x14100;
	[sflag:s15] =	ssyncadd.s32 $0xFFFFC000  }
0x9e: {  	[spmem:s3] =	stream.indirect.scatter.add.f32 [tilespmem:s12], [sflag:$0x3], $0x80, s10, s11, $0xb8;
	[tilespmem:$0x1E900] =	vst v63  }
0x9f: {  	_ =	swait.ge [sflag:s16], $0x4000  }
0xa0: {  	[sflag:s16] =	ssyncset.done $0x0  }
0xa1: {  	s2 =	simm.s32 $0x15600;
	[sflag:s16] =	ssyncadd.s32 $0xFFFFC000  }
0xa2: {  	[tilespmem:s12], [sflag:$0x1] =	stream.indirect.gather [hbm4b:s1+s11], $0x80, s2, s11, $0xb8;
	[tilespmem:$0x1E900] =	vst v63  }
0xa3: {  	_ =	swait.ge [sflag:s17], $0x4000  }
0xa4: {  	[sflag:s17] =	ssyncset.done $0x0  }
0xa5: {  	s10 =	simm.s32 $0x14180;
	[sflag:s17] =	ssyncadd.s32 $0xFFFFC000  }
0xa6: {  	[spmem:s3] =	stream.indirect.scatter.add.f32 [tilespmem:s14], [sflag:$0x4], $0x80, s10, s11, $0xb8;
	[tilespmem:$0x1E900] =	vst v63  }
0xa7: {  	_ =	swait.ge [sflag:s18], $0x4000  }
0xa8: {  	[sflag:s18] =	ssyncset.done $0x0  }
0xa9: {  	s31 =	simm.s32 $0x400;
	s10 =	simm.s32 $0x15680;
	[sflag:s18] =	ssyncadd.s32 $0xFFFFC000  }
.LBB2_4:
0xaa: {  	[tilespmem:s14], [sflag:$0x2] =	stream.indirect.gather [hbm4b:s1+s11], $0x80, s10, s11, $0xb8;
	[tilespmem:$0x1E900] =	vst v63  }
0xab: {  	s0 =	smov.u32 s31  }
0xac: {  	p1 =	sne.s32 s31, $0x4400;
	s31 =	sadd.s32 $0x400, s31;
	_ =	swait.ge [sflag:s15], $0x4000  }
0xad: {  	s0 =	sshra.s32 s0, $0x2;
	[sflag:s15] =	ssyncset.done $0x0  }
0xae: {  	s10 =	sadd.s32 $0x14100, s0;
	[sflag:s15] =	ssyncadd.s32 $0xFFFFC000  }
0xaf: {  	[spmem:s3] =	stream.indirect.scatter.add.f32 [tilespmem:s12], [sflag:$0x3], $0x80, s10, s11, $0xb8;
	[tilespmem:$0x1E900] =	vst v63  }
0xb0: {  	_ =	swait.ge [sflag:s16], $0x4000  }
0xb1: {  	[sflag:s16] =	ssyncset.done $0x0  }
0xb2: {  	s10 =	sadd.s32 $0x15600, s0;
	[sflag:s16] =	ssyncadd.s32 $0xFFFFC000  }
0xb3: {  	[tilespmem:s12], [sflag:$0x1] =	stream.indirect.gather [hbm4b:s1+s11], $0x80, s10, s11, $0xb8;
	[tilespmem:$0x1E900] =	vst v63  }
0xb4: {  	_ =	swait.ge [sflag:s17], $0x4000  }
0xb5: {  	[sflag:s17] =	ssyncset.done $0x0  }
.Ltmp1:
0xb6: {  	s10 =	sadd.s32 $0x14180, s0;
	[sflag:s17] =	ssyncadd.s32 $0xFFFFC000;
	(pc) =	sbr.rel @p1 .LBB2_4-.Ltmp1, $4  }
0xb7: {  	[spmem:s3] =	stream.indirect.scatter.add.f32 [tilespmem:s14], [sflag:$0x4], $0x80, s10, s11, $0xb8;
	[tilespmem:$0x1E900] =	vst v63  }
0xb8: {  	_ =	swait.ge [sflag:s18], $0x4000  }
0xb9: {  	[sflag:s18] =	ssyncset.done $0x0  }
0xba: {  	s10 =	sadd.s32 $0x15680, s0;
	[sflag:s18] =	ssyncadd.s32 $0xFFFFC000  }
0xbb: {  	[tilespmem:s14], [sflag:$0x2] =	stream.indirect.gather [hbm4b:s1+s11], $0x80, s10, s11, $0xb8;
	[tilespmem:$0x1E900] =	vst v63  }
0xbc: {  	_ =	swait.ge [sflag:s15], $0x4000  }
0xbd: {  	[sflag:s15] =	ssyncset.done $0x0  }
0xbe: {  	s0 =	simm.s32 $0x15300;
	[sflag:s15] =	ssyncadd.s32 $0xFFFFC000  }
0xbf: {  	[spmem:s3] =	stream.indirect.scatter.add.f32 [tilespmem:s12], [sflag:$0x3], $0x80, s0, s11, $0xb8;
	[tilespmem:$0x1E900] =	vst v63  }
0xc0: {  	_ =	swait.ge [sflag:s16], $0x4000  }
0xc1: {  	[sflag:s16] =	ssyncset.done $0x0  }
0xc2: {  	[sflag:s16] =	ssyncadd.s32 $0xFFFFC000  }
0xc3: {  	_ =	swait.ge [sflag:s17], $0x4000  }
0xc4: {  	[sflag:s17] =	ssyncset.done $0x0  }
0xc5: {  	s2 =	simm.s32 $0x15380;
	[sflag:s17] =	ssyncadd.s32 $0xFFFFC000  }
0xc6: {  	[spmem:s3] =	stream.indirect.scatter.add.f32 [tilespmem:s14], [sflag:$0x4], $0x80, s2, s11, $0xb8;
	[tilespmem:$0x1E900] =	vst v63  }
0xc7: {  	_ =	swait.ge [sflag:s18], $0x4000  }
0xc8: {  	s10 =	simm.s32 @!p0 $0x14080;
	[sflag:s18] =	ssyncset.done $0x0  }
0xc9: {  	s31 =	simm.s32 @!p0 $0x16900;
	s0 =	simm.s32 @!p0 $0x80;
	[sflag:s18] =	ssyncadd.s32 $0xFFFFC000  }
0xca: {  	[tilespmem:s31], [sflag:$0x5] =	stream.indirect.gather @!p0 [hbm4b:s1+s0], $0x80, s10, s0, $0xb8;
	[tilespmem:$0x1E900] =	vst v63  }
0xcb: {  	s10 =	simm.s32 @!p0 $0x5  }
0xcc: {  	_ =	swait.ge @!p0 [sflag:s10], $0x4000  }
0xcd: {  	[sflag:s10] =	ssyncset.done @!p0 $0x0  }
0xce: {  	s2 =	simm.s32 @!p0 $0x14000;
	[sflag:s10] =	ssyncadd.s32 @!p0 $0xFFFFC000  }
0xcf: {  	[spmem:s3] =	stream.indirect.scatter.add.f32 @!p0 [tilespmem:s31], [sflag:$0x5], $0x80, s2, s0, $0xb8;
	[tilespmem:$0x1E900] =	vst v63  }
0xd0: {  	_ =	swait.ge @!p0 [sflag:s10], $0x4000  }
0xd1: {  	[sflag:s10] =	ssyncset.done @!p0 $0x0  }
0xd2: {  	[sflag:s10] =	ssyncadd.s32 @!p0 $0xFFFFC000  }
0xd3: {  	[bflag:$0x0] =	sbarrier.arrive $0xFFFF  }
0xd4: {  	s10 =	rddreg [dreg:$0xa]  }
0xd5: {  	[hbm:s10], [sflag:s7] =	dma.local [spmem:s20], $0x400  }
0xd6: {  	_ =	swait.ge [sflag:s8], $0x400  }
0xd7: {  	[sflag:s8] =	ssyncset.done $0x0  }
0xd8: {  	s20 =	rddreg [dreg:$0xd];
	[sflag:s8] =	ssyncadd.s32 $0xFFFFFC00  }
0xd9: {  	[hbm:s20], [sflag:s7] =	dma.local [spmem:s21], $0x400  }
0xda: {  	_ =	swait.ge [sflag:s8], $0x400  }
0xdb: {  	[sflag:s8] =	ssyncset.done $0x0  }
0xdc: {  	s21 =	rddreg [dreg:$0xe];
	[sflag:s8] =	ssyncadd.s32 $0xFFFFFC00  }
0xdd: {  	[hbm:s21], [sflag:s7] =	dma.local [spmem:s22], $0x400  }
0xde: {  	_ =	swait.ge [sflag:s8], $0x400  }
0xdf: {  	[sflag:s8] =	ssyncset.done $0x0  }
0xe0: {  	s22 =	rddreg [dreg:$0xf];
	[sflag:s8] =	ssyncadd.s32 $0xFFFFFC00  }
0xe1: {  	[hbm:s22], [sflag:s7] =	dma.local [spmem:s23], $0x400  }
0xe2: {  	_ =	swait.ge [sflag:s8], $0x400  }
0xe3: {  	[sflag:s8] =	ssyncset.done $0x0  }
0xe4: {  	s23 =	rddreg [dreg:$0x10];
	[sflag:s8] =	ssyncadd.s32 $0xFFFFFC00  }
0xe5: {  	[hbm:s23], [sflag:s7] =	dma.local [spmem:s24], $0x400  }
0xe6: {  	_ =	swait.ge [sflag:s8], $0x400  }
0xe7: {  	[sflag:s8] =	ssyncset.done $0x0  }
0xe8: {  	s24 =	rddreg [dreg:$0x11];
	[sflag:s8] =	ssyncadd.s32 $0xFFFFFC00  }
0xe9: {  	[hbm:s24], [sflag:s7] =	dma.local [spmem:s25], $0x400  }
0xea: {  	_ =	swait.ge [sflag:s8], $0x400  }
0xeb: {  	[sflag:s8] =	ssyncset.done $0x0  }
0xec: {  	s25 =	rddreg [dreg:$0x12];
	[sflag:s8] =	ssyncadd.s32 $0xFFFFFC00  }
0xed: {  	[hbm:s25], [sflag:s7] =	dma.local [spmem:s26], $0x400  }
0xee: {  	_ =	swait.ge [sflag:s8], $0x400  }
0xef: {  	[sflag:s8] =	ssyncset.done $0x0  }
0xf0: {  	s26 =	rddreg [dreg:$0x13];
	[sflag:s8] =	ssyncadd.s32 $0xFFFFFC00  }
0xf1: {  	[hbm:s26], [sflag:s7] =	dma.local [spmem:s28], $0x400  }
0xf2: {  	_ =	swait.ge [sflag:s8], $0x400  }
0xf3: {  	[sflag:s8] =	ssyncset.done $0x0  }
0xf4: {  	s28 =	rddreg [dreg:$0x14];
	[sflag:s8] =	ssyncadd.s32 $0xFFFFFC00  }
0xf5: {  	[hbm:s28], [sflag:s7] =	dma.local [spmem:s29], $0x400  }
0xf6: {  	_ =	swait.ge [sflag:s8], $0x400  }
0xf7: {  	[sflag:s8] =	ssyncset.done $0x0  }
0xf8: {  	s29 =	rddreg [dreg:$0x15];
	[sflag:s8] =	ssyncadd.s32 $0xFFFFFC00  }
0xf9: {  	[hbm:s29], [sflag:s7] =	dma.local [spmem:s30], $0x400  }
0xfa: {  	_ =	swait.ge [sflag:s8], $0x400  }
0xfb: {  	s19 =	sadd.s32 $0x1, s19;
	s31 =	rddreg [dreg:$0xb]  }
0xfc: {  	p1 =	sne.s32 s19, s31  }
.Ltmp2:
0xfd: {  	_ = 	snop;
	(pc) =	sbr.rel @p1 .LBB2_1-.Ltmp2, $3  }
0xfe: {  	_ =	sdelay $0x1  }
0xff: {  	[sflag:s8] =	ssyncset.done $0x0  }
0x100: {  	[sflag:s8] =	ssyncadd.s32 $0xFFFFFC00  }
0x101: {  	_ =	sfence.sel $0x180000  }
0x102: {  	[bflag:$0x0] =	sbarrier.arrive $0xFFFF  }
0x103: {  	_ =	strace $0x9000004A  }
0x104: {  	s0 =	stileid.u32;
	[bflag:$0x2] =	sbarrier.arrive $0xFFFF  }
0x105: {  	p0 =	sne.s32 s0, $0x0;
	s0 =	rddreg [dreg:$0x3]  }
0x106: {  	s0 =	sadd.s32 @!p0 $0x100000, s0  }
0x107: {  	[sflag:s0] =	ssyncadd.tile.s32 @!p0 $0x1;
	_ =	shalt  }
.Lfunc_end2:
_tile_overlayer_lowered:
.L_overlay_start_2:
0x108: {  	(tag) =	ssettag $0x2  }
0x109: {  	s0 =	rddreg [dreg:$0x0];
	s2 =	stileid.u32  }
0x10a: {  	s1 =	rddreg [dreg:$0x1];
	p0 =	sne.s32 s2, $0x0  }
0x10b: {  	s3 =	rddreg [dreg:$0x2];
	[bflag:$0x3] =	sbarrier.arrive $0xFFFF;
	s2 =	simm.s32 @!p0 $0x1C05  }
0x10c: {  	[timem:s3], [sflag:s2] =	dma.local @!p0 [hbm:s0], s1  }
0x10d: {  	s0 =	simm.s32 @!p0 $0x5  }
0x10e: {  	_ =	swait.ge @!p0 [sflag:s0], s1  }
0x10f: {  	s1 =	ssub.s32 @!p0 $0x0, s1;
	[sflag:s0] =	ssyncset.done @!p0 $0x0  }
0x110: {  	[sflag:s0] =	ssyncadd.s32 @!p0 s1  }
0x111: {  	[bflag:$0x3] =	sbarrier.arrive $0xFFFF  }
0x112: {  	_ =	shalt  }

// kernel: kernel.7.cloned.1.call-start
scs
__scs_entry_jumppad:
0x0: {  	(pc) =	sbr.rel $0x88, $3  }
0x1: {  	(tag) =	ssettag $0x0;
	lr =	simm.s32 $0x1  }
0x2: {  	[smem:$0x3F9B] =	sst lr;
	_ =	strace $0xD0000000  }
0x3: {  	_ = 	snop  }
0x4: {  	_ = 	snop  }
0x5: {  	_ = 	snop  }
0x6: {  	_ = 	snop  }
0x7: {  	_ = 	snop  }
__scs_overlays_trampoline_lowered:
0x8: {  	[smem:$0x3FAA] =	sst s0  }
0x9: {  	[smem:$0x3FAB] =	sst s1  }
0xa: {  	[smem:$0x3FAC] =	sst s2  }
0xb: {  	[smem:$0x3FAD] =	sst s3  }
0xc: {  	[smem:$0x3FAE] =	sst s4  }
0xd: {  	[smem:$0x3FAF] =	sst s5  }
0xe: {  	[smem:$0x3FB0] =	sst s6  }
0xf: {  	[smem:$0x3FB1] =	sst s7  }
0x10: {  	[smem:$0x3FB2] =	sst s8  }
0x11: {  	[smem:$0x3FB3] =	sst s9;
	s0 =	simm.s32 @!p0 $0x0  }
0x12: {  	s1 =	sld [smem:$0x3F99];
	s0 =	simm.s32 @p0 $0x1  }
0x13: {  	[smem:$0x3FB4] =	sst s0;
	s0 =	simm.s32 @!p1 $0x0  }
0x14: {  	s2 =	sld [smem:$0x3F98];
	s0 =	simm.s32 @p1 $0x1  }
0x15: {  	[smem:$0x3FB5] =	sst s0;
	s0 =	simm.s32 @!p2 $0x0  }
0x16: {  	s3 =	sld [smem:$0x3FDB];
	s0 =	simm.s32 @p2 $0x1  }
0x17: {  	s4 =	simm.s32 $0x1BF5;
	[smem:$0x3FB7] =	sst s0  }
0x18: {  	s0 =	sld [smem:$0x3F9A];
	_ =	swait.ge [sflag:s4], $0x0  }
0x19: {  	s7 =	sld [smem:$0x3F9B]  }
0x1a: {  	s8 =	sadd.s32 $0xFFFFE003, lr  }
0x1b: {  	s9 =	sadd.s32 $0xFFFFFEF7, lr;
	s5 =	simm.s32 $0xFFFFFFFF;
	p2 =	slt.u32 s8, $0xFFFFF086  }
0x1c: {  	p1 =	slt.u32 s9, $0xF7A;
	s5 =	simm.s32 @!p2 $0x0  }
0x1d: {  	s5 =	simm.s32 @p1 $0x1;
	p0 =	seq.s32 s7, s2  }
0x1e: {  	s7 =	smul.u32 @!p0 $0xF7A, s2;
	p2 =	seq.s32 @!p0 s5, $0x0  }
0x1f: {  	s9 =	smul.u32 $0xF7A, s1;
	s8 =	simm.s32 @!p0 $0x1BF5;
	p2 =	por !p2, p0  }
0x20: {  	[sflag:s8] =	ssyncset.s32 @!p0 $0xFFFFF086;
	s6 =	sadd.s32 @!p0 s3, s7;
	s7 =	simm.s32 @!p0 $0x108  }
0x21: {  	s3 =	sadd.s32 s3, s9;
	s6 =	sadd.s32 @!p0 $0x88, s6;
	s7 =	simm.s32 @p2 $0x1082  }
0x22: {  	[simem:s7], [sflag:s8] =	dma.local @!p0 [hbm:s6], $0xF7A  }
0x23: {  	s9 =	sor.u32 $0xD0000000, s2;
	s6 =	simm.s32 $0x108;
	_ =	swait.ge @!p0 [sflag:s8], $0x0  }
0x24: {  	s3 =	sadd.s32 $0x88, s3;
	s6 =	simm.s32 @!p1 $0x1082;
	[sflag:s4] =	ssyncset.s32 $0xFFFFF086  }
0x25: {  	[simem:s6], [sflag:s4] =	dma.local [hbm:s3], $0xF7A  }
0x26: {  	[smem:$0x3F9B] =	sst s1;
	(tag) =	ssettag s2;
	_ =	strace s9  }
0x27: {  	s1 =	sld [smem:$0x3FAB]  }
0x28: {  	s2 =	sld [smem:$0x3FAC]  }
0x29: {  	s4 =	sld [smem:$0x3FAE]  }
0x2a: {  	p0 =	seq.s32 s5, $0x0;
	s5 =	sld [smem:$0x3FAF]  }
0x2b: {  	s6 =	sld [smem:$0x3FB0]  }
0x2c: {  	s7 =	sld [smem:$0x3FB1]  }
0x2d: {  	s3 =	simm.s32 $0x108;
	s8 =	sld [smem:$0x3FB2]  }
0x2e: {  	s3 =	simm.s32 @!p0 $0x1082;
	s9 =	sld [smem:$0x3FB3]  }
0x2f: {  	lr =	sadd.s32 s0, s3;
	s0 =	sld [smem:$0x3FAA]  }
0x30: {  	s3 =	sld [smem:$0x3FAD]  }
0x31: {  	[smem:$0x3FB6] =	sst s10  }
0x32: {  	s10 =	sld [smem:$0x3FB4];
	_ =	sdelay $0x3  }
0x33: {  	p0 =	seq.s32 s10, $0x1;
	s10 =	sld [smem:$0x3FB6];
	_ =	sdelay $0x3  }
0x34: {  	[smem:$0x3FB6] =	sst s10  }
0x35: {  	s10 =	sld [smem:$0x3FB5];
	_ =	sdelay $0x3  }
0x36: {  	p1 =	seq.s32 s10, $0x1;
	s10 =	sld [smem:$0x3FB6];
	_ =	sdelay $0x3  }
0x37: {  	[smem:$0x3FB6] =	sst s10  }
0x38: {  	s10 =	sld [smem:$0x3FB7]  }
0x39: {  	_ = 	snop;
	(pc) =	sbr.ind lr, $3  }
0x3a: {  	_ = 	snop  }
0x3b: {  	_ = 	snop  }
0x3c: {  	p2 =	seq.s32 s10, $0x1;
	s10 =	sld [smem:$0x3FB6]  }
0x3d: {  	_ =	shalt  }
0x3e: {  	_ =	shalt  }
0x3f: {  	_ =	shalt  }
0x40: {  	_ =	shalt  }
0x41: {  	_ =	shalt  }
0x42: {  	_ =	shalt  }
0x43: {  	_ =	shalt  }
0x44: {  	_ =	shalt  }
0x45: {  	_ =	shalt  }
0x46: {  	_ =	shalt  }
0x47: {  	_ =	shalt  }
0x48: {  	_ =	shalt  }
0x49: {  	_ =	shalt  }
0x4a: {  	_ =	shalt  }
0x4b: {  	_ =	shalt  }
0x4c: {  	_ =	shalt  }
0x4d: {  	_ =	shalt  }
0x4e: {  	_ =	shalt  }
0x4f: {  	_ =	shalt  }
0x50: {  	_ =	shalt  }
0x51: {  	_ =	shalt  }
0x52: {  	_ =	shalt  }
0x53: {  	_ =	shalt  }
0x54: {  	_ =	shalt  }
0x55: {  	_ =	shalt  }
0x56: {  	_ =	shalt  }
0x57: {  	_ =	shalt  }
0x58: {  	_ =	shalt  }
0x59: {  	_ =	shalt  }
0x5a: {  	_ =	shalt  }
0x5b: {  	_ =	shalt  }
0x5c: {  	_ =	shalt  }
0x5d: {  	_ =	shalt  }
0x5e: {  	_ =	shalt  }
0x5f: {  	_ =	shalt  }
0x60: {  	_ =	shalt  }
0x61: {  	_ =	shalt  }
0x62: {  	_ =	shalt  }
0x63: {  	_ =	shalt  }
0x64: {  	_ =	shalt  }
0x65: {  	_ =	shalt  }
0x66: {  	_ =	shalt  }
0x67: {  	_ =	shalt  }
0x68: {  	_ =	shalt  }
0x69: {  	_ =	shalt  }
0x6a: {  	_ =	shalt  }
0x6b: {  	_ =	shalt  }
0x6c: {  	_ =	shalt  }
0x6d: {  	_ =	shalt  }
0x6e: {  	_ =	shalt  }
0x6f: {  	_ =	shalt  }
0x70: {  	_ =	shalt  }
0x71: {  	_ =	shalt  }
0x72: {  	_ =	shalt  }
0x73: {  	_ =	shalt  }
0x74: {  	_ =	shalt  }
0x75: {  	_ =	shalt  }
0x76: {  	_ =	shalt  }
0x77: {  	_ =	shalt  }
0x78: {  	_ =	shalt  }
0x79: {  	_ =	shalt  }
0x7a: {  	_ =	shalt  }
0x7b: {  	_ =	shalt  }
0x7c: {  	_ =	shalt  }
0x7d: {  	_ =	shalt  }
0x7e: {  	_ =	shalt  }
0x7f: {  	_ =	shalt  }
0x80: {  	_ =	shalt  }
0x81: {  	_ =	shalt  }
0x82: {  	_ =	shalt  }
0x83: {  	_ =	shalt  }
0x84: {  	_ =	shalt  }
0x85: {  	_ =	shalt  }
0x86: {  	_ =	shalt  }
0x87: {  	_ =	shalt  }
.Lfunc_end0:
.L_simem_size_0:
called_computation_lowered:
.L_overlay_start_0:
0x88: {  	s2 =	sld [smem:$0x3FD9]  }
0x89: {  	s3 =	sld [smem:$0x3FFE];
	_ =	sdelay $0x1  }
0x8a: {  	s1 =	srdreg.scid  }
0x8b: {  	s0 =	sand.u32 $0x1, s1  }
0x8c: {  	s17 =	sshll.u32 s0, $0xA;
	s2 =	sadd.s32 s3, s2  }
0x8d: {  	s2 =	sadd.s32 s2, s17  }
0x8e: {  	[smem:$0x3FC2] =	sst s2  }
0x8f: {  	_ = 	snop  }
0x90: {  	s2 =	sld [smem:$0x3FD0];
	(tm) =	ssettm $0x1  }
0x91: {  	s18 =	sld [smem:$0x3FFB];
	_ =	sdelay $0x3  }
0x92: {  	_ =	strace s18  }
0x93: {  	s3 =	sld [smem:$0x3FFC];
	_ =	sdelay $0x3  }
0x94: {  	_ =	strace s3  }
0x95: {  	s3 =	sld [smem:$0x3FFD];
	_ =	sdelay $0x3  }
0x96: {  	_ =	strace s3  }
0x97: {  	_ =	strace $0x8FFFFFFF  }
0x98: {  	s19 =	sld [smem:$0x3FDB];
	_ =	sdelay $0x1  }
0x99: {  	s4 =	simm.s32 $_scs_section_size  }
0x9a: {  	s5 =	simm.s32 $_size__tile_overlayer_lowered;
	s6 =	simm.s32 $_tile_overlayer_lowered  }
0x9b: {  	s22 =	simm.s32 $0x1BFF;
	s21 =	sshll.u32 s6, $0x1;
	s3 =	sadd.s32 s4, s19  }
0x9c: {  	s7 =	simm.s32 $0x0;
	s20 =	sshll.u32 s5, $0x1;
	s5 =	sadd.s32 s21, s3  }
0x9d: {  	[timem:s7], [sflag:s22] =	dma.local [hbm:s5], s20  }
0x9e: {  	_ =	swait.ge [sflag:s22], s20  }
0x9f: {  	s4 =	ssub.s32 $0x0, s20;
	[sflag:s22] =	ssyncset.done $0x0  }
0xa0: {  	[sflag:s22] =	ssyncadd.s32 s4;
	_ =	sdelay $0x1  }
0xa1: {  	s23 =	simm.s32 $0x1B8B  }
0xa2: {  	_ =	swait.ge [sflag:s23], $0x1  }
0xa3: {  	[sflag:s23] =	ssyncset.done $0x0  }
0xa4: {  	s25 =	simm.s32 $0x1B8E;
	s24 =	sld [smem:$0x3FFE];
	[sflag:s23] =	ssyncadd.s32 $0xFFFFFFFF  }
0xa5: {  	s26 =	simm.s32 $execute0_lowered;
	[smem:$0x3FD2] =	sst s25  }
0xa6: {  	s5 =	sshll.u32 s26, $0x1;
	_ =	strace $0x80000046;
	[dreg:$0x1] =	wrdreg $0xFFFFFFFF  }
0xa7: {  	s28 =	simm.s32 $_size_execute0_lowered;
	s3 =	sadd.s32 s3, s5;
	[dreg:$0x0] =	wrdreg $0x0  }
0xa8: {  	s5 =	sshll.u32 s28, $0x1;
	[dreg:$0x2] =	wrdreg s3  }
0xa9: {  	[dreg:$0x3] =	wrdreg s5  }
0xaa: {  	[dreg:$0x4] =	wrdreg $0xC0  }
0xab: {  	_ =	task [dreg:s7], $0x5FFFF  }
0xac: {  	[dreg:$0x1] =	wrdreg $0xFFFFFFFF  }
0xad: {  	[dreg:$0x0] =	wrdreg $0x60  }
0xae: {  	[dreg:$0x2] =	wrdreg s24  }
0xaf: {  	[dreg:$0x3] =	wrdreg s2  }
0xb0: {  	[dreg:$0x4] =	wrdreg $0x0  }
0xb1: {  	[dreg:$0x5] =	wrdreg $0x9  }
0xb2: {  	_ =	task.clear_ibuf [dreg:s7], $0x6FFFF;
	_ =	strace $0x90000046  }
0xb3: {  	s29 =	simm.s32 $0x9;
	_ =	strace $0x80000048  }
0xb4: {  	_ =	swait.ge [sflag:s29], $0x1  }
0xb5: {  	[sflag:s29] =	ssyncadd.s32 $0xFFFFFFFF  }
0xb6: {  	_ =	strace $0x90000048  }
0xb7: {  	_ =	sfence  }
0xb8: {  	s30 =	sld [smem:$0x0];
	_ =	sdelay $0x2  }
0xb9: {  	s31 =	sshll.u32 s1, $0xD;
	s1 =	sshrl.u32 s1, $0x2  }
0xba: {  	s3 =	sand.u32 $0x4000, s31;
	s1 =	sadd.s32 s1, s30  }
0xbb: {  	s0 =	sor.u32 s3, s0;
	s1 =	sshll.u32 s1, $0x11  }
0xbc: {  	s0 =	sor.u32 s1, s0  }
0xbd: {  	s0 =	sadd.s32 $0x8F2B, s0  }
0xbe: {  	[sflag:s0] =	ssyncadd.remote.s32 $0x1  }
0xbf: {  	_ =	sfence.sel $0xFFFF  }
0xc0: {  	[dreg:$0x0] =	wrdreg $0xFFFFFFFF;
	(pc) =	sbr.abs _section_cstart, $3  }
0xc1: {  	[dreg:$0x1] =	wrdreg $0xFFFFFFFF  }
0xc2: {  	_ =	task.clear_ibuf [dreg:s7], $0x2FFFF;
	_ =	strace $0x9FFFFFFF  }
0xc3: {  	(tm) =	ssettm $0x7FFFFFFF  }
tec
execute0_lowered:
.L_overlay_start_1:
0x0: {  	(tag) =	ssettag $0x1  }
0x1: {  	s4 =	rddreg [dreg:$0x0]  }
0x2: {  	s0 =	srdreg.scid;
	s9 =	rddreg [dreg:$0x1]  }
0x3: {  	s2 =	rddreg [dreg:$0x2];
	s3 =	simm.s32 $0x0;
	s15 =	simm.s32 $0x80  }
0x4: {  	s16 =	simm.s32 $0x300;
	s17 =	simm.s32 $0x1;
	s18 =	simm.s32 $0x2  }
0x5: {  	s19 =	simm.s32 $0x0;
	s5 =	sand.u32 $0x1, s0;
	s0 =	stileid.u32  }
0x6: {  	[smem:$0x7FF] =	sst s3;
	s1 =	sshll.u32 s5, $0x4;
	s8 =	smul.u32 $0x280, s0  }
0x7: {  	s29 =	ssub.s32 $0x2, s5;
	s13 =	smul.u32 $0x2800, s5;
	s30 =	sshll.u32 s0, $0x6  }
0x8: {  	s11 =	sor.u32 s0, s1;
	s1 =	rddreg [dreg:$0x3];
	_ =	strace $0x80000047  }
0x9: {  	s12 =	sshrl.u32 s29, $0x1;
	s6 =	smul.u32 $0x4E, s11;
	s7 =	smin.u32 s11, $0x4  }
0xa: {  	s26 =	sshrl.u32 s8, $0x3;
	s12 =	ssub.s32 s29, s12;
	s14 =	sadd.s32 s8, s2  }
0xb: {  	s13 =	sadd.s32 s8, s13;
	p0 =	sgt.u32 s11, $0x3;
	s28 =	sadd.s32 s26, s4  }
0xc: {  	s31 =	sshrl.u32 s13, $0x3;
	s11 =	sshrl.u32 s14, $0x3;
	s6 =	sadd.s32 s7, s6  }
0xd: {  	s13 =	simm.s32 $0x2A00;
	s14 =	simm.s32 $0x280;
	s6 =	sshll.u32 s6, $0x4  }
0xe: {  	s5 =	sadd.s32 $0x16400, s28;
	s9 =	sadd.s32 s9, s31;
	s10 =	sadd.s32 s6, s4  }
0xf: {  	s4 =	sadd.s32 $0x16200, s4;
	s6 =	sor.u32 $0x1C03, s30;
	s7 =	sadd.s32 $0xC400, s10  }
0x10: {  	s8 =	sadd.s32 $0xC8E0, s10;
	s10 =	smax.u32 s12, $0x1;
	s12 =	simm.s32 $0x3  }
.LBB2_1:
0x11: {  	[spmem:s11], [sflag:s6] =	dma.local [hbm:s5], $0x50  }
0x12: {  	_ =	swait.ge [sflag:s12], $0x50  }
0x13: {  	[sflag:s12] =	ssyncset.done $0x0  }
0x14: {  	[sflag:s12] =	ssyncadd.s32 $0xFFFFFFB0  }
0x15: {  	[tilespmem:s13], [sflag:$0x3] =	stream.linear.gather [hbm4b:s4+s3], $0x80, $0x38;
	[tilespmem:$0x2A80] =	vst v63  }
0x16: {  	_ =	swait.ge [sflag:s12], $0x80  }
0x17: {  	[sflag:s12] =	ssyncset.done $0x0  }
0x18: {  	[sflag:s12] =	ssyncadd.s32 $0xFFFFFF80  }
0x19: {  	[tilespmem:s14], [sflag:$0x3] =	stream.linear.gather [hbm4b:s7+s3], $0x2700, $0x38;
	[tilespmem:$0x2A80] =	vst v63  }
0x1a: {  	_ =	swait.ge [sflag:s12], $0x2700  }
0x1b: {  	[sflag:s12] =	ssyncset.done $0x0  }
0x1c: {  	s20 =	simm.s32 @!p0 $0x0;
	s21 =	simm.s32 @!p0 $0x2980;
	[sflag:s12] =	ssyncadd.s32 $0xFFFFD900  }
0x1d: {  	[tilespmem:s21], [sflag:$0x3] =	stream.linear.gather @!p0 [hbm4b:s8+s20], $0x80, $0x38;
	[tilespmem:$0x2A80] =	vst v63  }
0x1e: {  	s20 =	simm.s32 @!p0 $0x3  }
0x1f: {  	_ =	swait.ge @!p0 [sflag:s20], $0x80  }
0x20: {  	[sflag:s20] =	ssyncset.done @!p0 $0x0  }
0x21: {  	[sflag:s20] =	ssyncadd.s32 @!p0 $0xFFFFFF80  }
0x22: {  	[bflag:$0x0] =	sbarrier.arrive $0xFFFF  }
0x23: {  	[spmem:s2] =	stream.indirect.scatter.add.f32 [tilespmem:s13], [sflag:$0x1], $0x1, s14, s15, $0xb8;
	[tilespmem:$0x2A80] =	vst v63  }
0x24: {  	_ = 	snop  }
0x25: {  	[spmem:s2] =	stream.indirect.scatter.add.f32 [tilespmem:s13], [sflag:$0x2], $0x1, s16, s15, $0xb8;
	[tilespmem:$0x2A80] =	vst v63  }
0x26: {  	_ =	swait.ge [sflag:s17], $0x80  }
0x27: {  	[sflag:s17] =	ssyncset.done $0x0  }
0x28: {  	s31 =	simm.s32 $0x380;
	[sflag:s17] =	ssyncadd.s32 $0xFFFFFF80  }
0x29: {  	[spmem:s2] =	stream.indirect.scatter.add.f32 [tilespmem:s13], [sflag:$0x1], $0x1, s31, s15, $0xb8;
	[tilespmem:$0x2A80] =	vst v63  }
0x2a: {  	_ =	swait.ge [sflag:s18], $0x80  }
0x2b: {  	[sflag:s18] =	ssyncset.done $0x0  }
0x2c: {  	s21 =	simm.s32 $0x400;
	s20 =	simm.s32 $0xFFFF6C00;
	[sflag:s18] =	ssyncadd.s32 $0xFFFFFF80  }
.LBB2_2:
0x2d: {  	[spmem:s2] =	stream.indirect.scatter.add.f32 [tilespmem:s13], [sflag:$0x2], $0x1, s21, s15, $0xb8;
	[tilespmem:$0x2A80] =	vst v63  }
0x2e: {  	s21 =	smov.u32 s20  }
0x2f: {  	p1 =	sne.s32 s20, $0xFFFFFC00;
	s20 =	sadd.s32 $0x400, s20;
	_ =	swait.ge [sflag:s17], $0x80  }
0x30: {  	s21 =	sshra.s32 s21, $0x2;
	[sflag:s17] =	ssyncset.done $0x0  }
.Ltmp0:
0x31: {  	s22 =	sadd.s32 $0x2980, s21;
	[sflag:s17] =	ssyncadd.s32 $0xFFFFFF80;
	(pc) =	sbr.rel @p1 .LBB2_2-.Ltmp0, $4  }
0x32: {  	[spmem:s2] =	stream.indirect.scatter.add.f32 [tilespmem:s13], [sflag:$0x1], $0x1, s22, s15, $0xb8;
	[tilespmem:$0x2A80] =	vst v63  }
0x33: {  	_ =	swait.ge [sflag:s18], $0x80  }
0x34: {  	[sflag:s18] =	ssyncset.done $0x0  }
0x35: {  	s21 =	sadd.s32 $0x2A00, s21;
	[sflag:s18] =	ssyncadd.s32 $0xFFFFFF80  }
0x36: {  	[spmem:s2] =	stream.indirect.scatter.add.f32 [tilespmem:s13], [sflag:$0x2], $0x1, s21, s15, $0xb8;
	[tilespmem:$0x2A80] =	vst v63  }
0x37: {  	_ =	swait.ge [sflag:s17], $0x80  }
0x38: {  	[sflag:s17] =	ssyncset.done $0x0  }
0x39: {  	[sflag:s17] =	ssyncadd.s32 $0xFFFFFF80  }
0x3a: {  	_ =	swait.ge [sflag:s18], $0x80  }
0x3b: {  	s20 =	simm.s32 @!p0 $0x80;
	[sflag:s18] =	ssyncset.done $0x0  }
0x3c: {  	s21 =	simm.s32 @!p0 $0x2980;
	s22 =	simm.s32 @!p0 $0x2A00;
	[sflag:s18] =	ssyncadd.s32 $0xFFFFFF80  }
0x3d: {  	[spmem:s2] =	stream.indirect.scatter.add.f32 @!p0 [tilespmem:s22], [sflag:$0x3], $0x1, s21, s20, $0xb8;
	[tilespmem:$0x2A80] =	vst v63  }
0x3e: {  	s20 =	simm.s32 @!p0 $0x3  }
0x3f: {  	_ =	swait.ge @!p0 [sflag:s20], $0x80  }
0x40: {  	s19 =	sadd.s32 $0x1, s19;
	[sflag:s20] =	ssyncset.done @!p0 $0x0  }
0x41: {  	p1 =	sne.s32 s19, s10;
	[sflag:s20] =	ssyncadd.s32 @!p0 $0xFFFFFF80  }
.Ltmp1:
0x42: {  	[bflag:$0x0] =	sbarrier.arrive $0xFFFF;
	(pc) =	sbr.rel @p1 .LBB2_1-.Ltmp1, $4  }
0x43: {  	[hbm:s9], [sflag:s6] =	dma.local [spmem:s11], $0x50  }
0x44: {  	_ =	swait.ge [sflag:s12], $0x50  }
0x45: {  	[sflag:s12] =	ssyncset.done $0x0  }
0x46: {  	[sflag:s12] =	ssyncadd.s32 $0xFFFFFFB0  }
0x47: {  	_ =	sfence.sel $0x180000  }
0x48: {  	[bflag:$0x0] =	sbarrier.arrive $0xFFFF  }
0x49: {  	p0 =	sne.s32 s0, $0x0;
	_ =	strace $0x90000047  }
0x4a: {  	s0 =	sadd.s32 @!p0 $0x100000, s1;
	[bflag:$0x2] =	sbarrier.arrive $0xFFFF  }
0x4b: {  	[sflag:s0] =	ssyncadd.tile.s32 @!p0 $0x1;
	_ =	shalt  }
.Lfunc_end2:
_tile_overlayer_lowered:
.L_overlay_start_2:
0x4c: {  	(tag) =	ssettag $0x2  }
0x4d: {  	s0 =	rddreg [dreg:$0x0];
	s2 =	stileid.u32  }
0x4e: {  	s1 =	rddreg [dreg:$0x1];
	p0 =	sne.s32 s2, $0x0  }
0x4f: {  	s3 =	rddreg [dreg:$0x2];
	[bflag:$0x3] =	sbarrier.arrive $0xFFFF;
	s2 =	simm.s32 @!p0 $0x1C03  }
0x50: {  	[timem:s3], [sflag:s2] =	dma.local @!p0 [hbm:s0], s1  }
0x51: {  	s0 =	simm.s32 @!p0 $0x3  }
0x52: {  	_ =	swait.ge @!p0 [sflag:s0], s1  }
0x53: {  	s1 =	ssub.s32 @!p0 $0x0, s1;
	[sflag:s0] =	ssyncset.done @!p0 $0x0  }
0x54: {  	[sflag:s0] =	ssyncadd.s32 @!p0 s1  }
0x55: {  	[bflag:$0x3] =	sbarrier.arrive $0xFFFF  }
0x56: {  	_ =	shalt  }

</sc_bundles>
